<compile_context>
chip_gen: v7x
topology: tpu7x:2x2x1
jax: 0.10.2.dev20260603
libtpu: 0.0.44.dev20260713+nightly
codegen_flags: <defaults>
</compile_context>

<pallas_src>
import jax
import jax.numpy as jnp
from jax import lax
from jax.experimental import pallas as pl
from jax.experimental.pallas import tpu as pltpu
from jax.experimental.pallas import tpu_sc as plsc

IM_SIZE = 1024
RADIUS = 128
BATCH = 512

_NW = 32
_RPW = BATCH // _NW
_FLAT = _RPW * IM_SIZE
_STRIDE = IM_SIZE + 8
_NPAD = IM_SIZE + RADIUS
_NEG = -3.0e30
_PADV = -1000.0 - float(IM_SIZE)


def _body(hf_hbm, out_hbm, rows_v, out_v, p_v, sem):
    wid = lax.axis_index("s") * 2 + lax.axis_index("c")
    base = wid * _FLAT
    copies = [
        pltpu.async_copy(
            hf_hbm.at[pl.ds(base + r * IM_SIZE, IM_SIZE)],
            rows_v.at[pl.ds(r * _STRIDE, IM_SIZE)],
            sem,
        )
        for r in range(_RPW)
    ]
    for c in copies:
        c.wait()

    lane_base = lax.iota(jnp.int32, 16) * _STRIDE
    negv = jnp.full((16,), _NEG, jnp.float32)
    padv = jnp.full((16,), _PADV, jnp.float32)
    onei = jnp.full((16,), 1, jnp.int32)
    onef = jnp.full((16,), 1.0, jnp.float32)

    def pass_a(j_in, carries):
        idxs, jfs, pms = carries
        new_idx, new_jf, new_pm = [], [], []
        for k in range(7):
            j = (k + 1) * RADIUS + j_in
            v = plsc.load_gather(rows_v, [idxs[k]])
            g = v - jfs[k]
            pm = jnp.maximum(g, pms[k])
            p_v[j] = pm
            new_idx.append(idxs[k] + onei)
            new_jf.append(jfs[k] + onef)
            new_pm.append(pm)
        return tuple(new_idx), tuple(new_jf), tuple(new_pm)

    init_a = (
        tuple(lane_base + (k + 1) * RADIUS for k in range(7)),
        tuple(jnp.full((16,), float((k + 1) * RADIUS), jnp.float32) for k in range(7)),
        (negv,) * 7,
    )
    plsc.parallel_loop(0, RADIUS, 1, unroll=4, carry=init_a)(
        lambda i, c: pass_a(i, c)
    )

    def pass_b(jj, carries):
        j_in = RADIUS - 1 - jj
        idxs, jfs, sms = carries
        new_idx, new_jf, new_sm = [], [], []
        for b in range(8):
            j = b * RADIUS + j_in
            v = plsc.load_gather(rows_v, [idxs[b]])
            g = v - jfs[b]
            pn = p_v[j + RADIUS] if b < 7 else padv
            o = jnp.maximum(jnp.maximum(sms[b], pn) - g, 0.0)
            plsc.store_scatter(out_v, [idxs[b]], o)
            new_idx.append(idxs[b] - onei)
            new_jf.append(jfs[b] - onef)
            new_sm.append(jnp.maximum(sms[b], g))
        return tuple(new_idx), tuple(new_jf), tuple(new_sm)

    init_b = (
        tuple(lane_base + (b * RADIUS + RADIUS - 1) for b in range(8)),
        tuple(
            jnp.full((16,), float(b * RADIUS + RADIUS - 1), jnp.float32)
            for b in range(8)
        ),
        (negv,) * 8,
    )
    plsc.parallel_loop(0, RADIUS, 1, unroll=4, carry=init_b)(
        lambda i, c: pass_b(i, c)
    )

    copies = [
        pltpu.async_copy(
            out_v.at[pl.ds(r * _STRIDE, IM_SIZE)],
            out_hbm.at[pl.ds(base + r * IM_SIZE, IM_SIZE)],
            sem,
        )
        for r in range(_RPW)
    ]
    for c in copies:
        c.wait()


def kernel(height_field):
    mesh = plsc.VectorSubcoreMesh(core_axis_name="c", subcore_axis_name="s")
    f = pl.kernel(
        _body,
        out_type=jax.ShapeDtypeStruct((BATCH * IM_SIZE,), jnp.float32),
        mesh=mesh,
        scratch_types=[
            pltpu.VMEM((_RPW * _STRIDE,), jnp.float32),
            pltpu.VMEM((_RPW * _STRIDE,), jnp.float32),
            pltpu.VMEM((_NPAD, 16), jnp.float32),
            pltpu.SemaphoreType.DMA,
        ],
        compiler_params=pltpu.CompilerParams(
            use_tc_tiling_on_sc=False, needs_layout_passes=False
        ),
    )
    return f(height_field.reshape(-1)).reshape(BATCH, IM_SIZE)

# --- scband reference (transcript-rebuilt; emitter-appended) ---
"""Pipeline reference for scband-h2-i-74895639708134 (READ-ONLY COPY).

The authoritative reference and input builder live on the scoring server;
editing this copy changes nothing except your own understanding.
"""

import jax, jax.numpy as jnp
import numpy as np

IM_SIZE = 1024
RADIUS = 128
BATCH = 512

_buffer_vector = jnp.arange(1, RADIUS + 1).astype(jnp.float32)
_selecting_matrix = jnp.arange(0, IM_SIZE)[:, None] + jnp.arange(1, RADIUS + 1)


def setup_inputs(seed: int = 0) -> dict:
    key = jax.random.key(seed)
    height_field = jax.random.uniform(key, (BATCH, IM_SIZE), dtype=jnp.float32)
    return {"height_field": height_field}


def reference(height_field):
    # ConstantPad2d((0, radius, 0, 0), -1000): pad last dim on the right by RADIUS
    height_field_padded = jnp.pad(
        height_field, ((0, 0), (0, RADIUS)), mode="constant", constant_values=-1000.0
    )
    # gather: [B, im_size, radius]
    unroll_heights = height_field_padded[:, _selecting_matrix] - _buffer_vector
    compare_heights = jnp.max(unroll_heights, axis=2)
    image = jax.nn.relu(compare_heights - height_field)
    return image

if __name__ == "__main__":
    import jax
    _d = setup_inputs()
    print(jax.jit(kernel)(*tuple(_d.values())))

</pallas_src>

<mosaic_0001>
#map = affine_map<(d0, d1) -> (0)>
module attributes {stable_mosaic.version = 14 : i64} {
  func.func @_body(%arg0: i32, %arg1: i32, %arg2: memref<524288xf32, #tpu.memory_space<hbm>>, %arg3: memref<524288xf32, #tpu.memory_space<hbm>>, %arg4: memref<16512xf32, #tpu.memory_space<vmem>>, %arg5: memref<16512xf32, #tpu.memory_space<vmem>>, %arg6: memref<1152x16xf32, #tpu.memory_space<vmem>>, %arg7: memref<!tpu.dma_semaphore, #tpu.memory_space<semaphore_mem>>) attributes {dimension_semantics = [#tpu.dimension_semantics<core_parallel>, #tpu.dimension_semantics<subcore_parallel>], iteration_bounds = array<i64: 2, 16>, scalar_prefetch = 0 : i64, scratch_operands = 4 : i64, tpu.core_type = #tpu.core_type<sc_vector_subcore>, window_params = [{transform_indices = #map}, {transform_indices = #map}]} {
    %mul3A = arith.constant 2 : i32
    %mul3A_0 = arith.muli %arg1, %mul3A : i32
    %add3A = arith.addi %mul3A_0, %arg0 : i32
    %mul3A_1 = arith.constant 16384 : i32
    %mul3A_2 = arith.muli %add3A, %mul3A_1 : i32
    %add3A_3 = arith.constant 0 : i32
    %add3A_4 = arith.addi %mul3A_2, %add3A_3 : i32
    %dma_start3A = arith.constant 0 : i32
    %dma_start3A_5 = tpu.memref_slice %arg4[%dma_start3A] : memref<16512xf32, #tpu.memory_space<vmem>> -> memref<1024xf32, #tpu.memory_space<vmem>>
    %dma_start3A_6 = tpu.memref_slice %arg2[%add3A_4] : memref<524288xf32, #tpu.memory_space<hbm>> -> memref<1024xf32, #tpu.memory_space<hbm>>
    %dma_start3A_7 = arith.constant 0 : i32
    %dma_start3A_8 = tpu.memref_slice %arg4[%dma_start3A_7] : memref<16512xf32, #tpu.memory_space<vmem>> -> memref<1024xf32, #tpu.memory_space<vmem>>
    %dma_start3A_9 = tpu.memref_slice %arg2[%add3A_4] : memref<524288xf32, #tpu.memory_space<hbm>> -> memref<1024xf32, #tpu.memory_space<hbm>>
    tpu.enqueue_dma source(%dma_start3A_9 : memref<1024xf32, #tpu.memory_space<hbm>>) target(%dma_start3A_8 : memref<1024xf32, #tpu.memory_space<vmem>>) target_semaphore(%arg7 : memref<!tpu.dma_semaphore, #tpu.memory_space<semaphore_mem>>)
    %add3A_10 = arith.constant 1024 : i32
    %add3A_11 = arith.addi %mul3A_2, %add3A_10 : i32
    %dma_start3A_12 = arith.constant 1032 : i32
    %dma_start3A_13 = tpu.memref_slice %arg4[%dma_start3A_12] : memref<16512xf32, #tpu.memory_space<vmem>> -> memref<1024xf32, #tpu.memory_space<vmem>>
    %dma_start3A_14 = tpu.memref_slice %arg2[%add3A_11] : memref<524288xf32, #tpu.memory_space<hbm>> -> memref<1024xf32, #tpu.memory_space<hbm>>
    %dma_start3A_15 = arith.constant 1032 : i32
    %dma_start3A_16 = tpu.memref_slice %arg4[%dma_start3A_15] : memref<16512xf32, #tpu.memory_space<vmem>> -> memref<1024xf32, #tpu.memory_space<vmem>>
    %dma_start3A_17 = tpu.memref_slice %arg2[%add3A_11] : memref<524288xf32, #tpu.memory_space<hbm>> -> memref<1024xf32, #tpu.memory_space<hbm>>
    tpu.enqueue_dma source(%dma_start3A_17 : memref<1024xf32, #tpu.memory_space<hbm>>) target(%dma_start3A_16 : memref<1024xf32, #tpu.memory_space<vmem>>) target_semaphore(%arg7 : memref<!tpu.dma_semaphore, #tpu.memory_space<semaphore_mem>>)
    %add3A_18 = arith.constant 2048 : i32
    %add3A_19 = arith.addi %mul3A_2, %add3A_18 : i32
    %dma_start3A_20 = arith.constant 2064 : i32
    %dma_start3A_21 = tpu.memref_slice %arg4[%dma_start3A_20] : memref<16512xf32, #tpu.memory_space<vmem>> -> memref<1024xf32, #tpu.memory_space<vmem>>
    %dma_start3A_22 = tpu.memref_slice %arg2[%add3A_19] : memref<524288xf32, #tpu.memory_space<hbm>> -> memref<1024xf32, #tpu.memory_space<hbm>>
    %dma_start3A_23 = arith.constant 2064 : i32
    %dma_start3A_24 = tpu.memref_slice %arg4[%dma_start3A_23] : memref<16512xf32, #tpu.memory_space<vmem>> -> memref<1024xf32, #tpu.memory_space<vmem>>
    %dma_start3A_25 = tpu.memref_slice %arg2[%add3A_19] : memref<524288xf32, #tpu.memory_space<hbm>> -> memref<1024xf32, #tpu.memory_space<hbm>>
    tpu.enqueue_dma source(%dma_start3A_25 : memref<1024xf32, #tpu.memory_space<hbm>>) target(%dma_start3A_24 : memref<1024xf32, #tpu.memory_space<vmem>>) target_semaphore(%arg7 : memref<!tpu.dma_semaphore, #tpu.memory_space<semaphore_mem>>)
    %add3A_26 = arith.constant 3072 : i32
    %add3A_27 = arith.addi %mul3A_2, %add3A_26 : i32
    %dma_start3A_28 = arith.constant 3096 : i32
    %dma_start3A_29 = tpu.memref_slice %arg4[%dma_start3A_28] : memref<16512xf32, #tpu.memory_space<vmem>> -> memref<1024xf32, #tpu.memory_space<vmem>>
    %dma_start3A_30 = tpu.memref_slice %arg2[%add3A_27] : memref<524288xf32, #tpu.memory_space<hbm>> -> memref<1024xf32, #tpu.memory_space<hbm>>
    %dma_start3A_31 = arith.constant 3096 : i32
    %dma_start3A_32 = tpu.memref_slice %arg4[%dma_start3A_31] : memref<16512xf32, #tpu.memory_space<vmem>> -> memref<1024xf32, #tpu.memory_space<vmem>>
    %dma_start3A_33 = tpu.memref_slice %arg2[%add3A_27] : memref<524288xf32, #tpu.memory_space<hbm>> -> memref<1024xf32, #tpu.memory_space<hbm>>
    tpu.enqueue_dma source(%dma_start3A_33 : memref<1024xf32, #tpu.memory_space<hbm>>) target(%dma_start3A_32 : memref<1024xf32, #tpu.memory_space<vmem>>) target_semaphore(%arg7 : memref<!tpu.dma_semaphore, #tpu.memory_space<semaphore_mem>>)
    %add3A_34 = arith.constant 4096 : i32
    %add3A_35 = arith.addi %mul3A_2, %add3A_34 : i32
    %dma_start3A_36 = arith.constant 4128 : i32
    %dma_start3A_37 = tpu.memref_slice %arg4[%dma_start3A_36] : memref<16512xf32, #tpu.memory_space<vmem>> -> memref<1024xf32, #tpu.memory_space<vmem>>
    %dma_start3A_38 = tpu.memref_slice %arg2[%add3A_35] : memref<524288xf32, #tpu.memory_space<hbm>> -> memref<1024xf32, #tpu.memory_space<hbm>>
    %dma_start3A_39 = arith.constant 4128 : i32
    %dma_start3A_40 = tpu.memref_slice %arg4[%dma_start3A_39] : memref<16512xf32, #tpu.memory_space<vmem>> -> memref<1024xf32, #tpu.memory_space<vmem>>
    %dma_start3A_41 = tpu.memref_slice %arg2[%add3A_35] : memref<524288xf32, #tpu.memory_space<hbm>> -> memref<1024xf32, #tpu.memory_space<hbm>>
    tpu.enqueue_dma source(%dma_start3A_41 : memref<1024xf32, #tpu.memory_space<hbm>>) target(%dma_start3A_40 : memref<1024xf32, #tpu.memory_space<vmem>>) target_semaphore(%arg7 : memref<!tpu.dma_semaphore, #tpu.memory_space<semaphore_mem>>)
    %add3A_42 = arith.constant 5120 : i32
    %add3A_43 = arith.addi %mul3A_2, %add3A_42 : i32
    %dma_start3A_44 = arith.constant 5160 : i32
    %dma_start3A_45 = tpu.memref_slice %arg4[%dma_start3A_44] : memref<16512xf32, #tpu.memory_space<vmem>> -> memref<1024xf32, #tpu.memory_space<vmem>>
    %dma_start3A_46 = tpu.memref_slice %arg2[%add3A_43] : memref<524288xf32, #tpu.memory_space<hbm>> -> memref<1024xf32, #tpu.memory_space<hbm>>
    %dma_start3A_47 = arith.constant 5160 : i32
    %dma_start3A_48 = tpu.memref_slice %arg4[%dma_start3A_47] : memref<16512xf32, #tpu.memory_space<vmem>> -> memref<1024xf32, #tpu.memory_space<vmem>>
    %dma_start3A_49 = tpu.memref_slice %arg2[%add3A_43] : memref<524288xf32, #tpu.memory_space<hbm>> -> memref<1024xf32, #tpu.memory_space<hbm>>
    tpu.enqueue_dma source(%dma_start3A_49 : memref<1024xf32, #tpu.memory_space<hbm>>) target(%dma_start3A_48 : memref<1024xf32, #tpu.memory_space<vmem>>) target_semaphore(%arg7 : memref<!tpu.dma_semaphore, #tpu.memory_space<semaphore_mem>>)
    %add3A_50 = arith.constant 6144 : i32
    %add3A_51 = arith.addi %mul3A_2, %add3A_50 : i32
    %dma_start3A_52 = arith.constant 6192 : i32
    %dma_start3A_53 = tpu.memref_slice %arg4[%dma_start3A_52] : memref<16512xf32, #tpu.memory_space<vmem>> -> memref<1024xf32, #tpu.memory_space<vmem>>
    %dma_start3A_54 = tpu.memref_slice %arg2[%add3A_51] : memref<524288xf32, #tpu.memory_space<hbm>> -> memref<1024xf32, #tpu.memory_space<hbm>>
    %dma_start3A_55 = arith.constant 6192 : i32
    %dma_start3A_56 = tpu.memref_slice %arg4[%dma_start3A_55] : memref<16512xf32, #tpu.memory_space<vmem>> -> memref<1024xf32, #tpu.memory_space<vmem>>
    %dma_start3A_57 = tpu.memref_slice %arg2[%add3A_51] : memref<524288xf32, #tpu.memory_space<hbm>> -> memref<1024xf32, #tpu.memory_space<hbm>>
    tpu.enqueue_dma source(%dma_start3A_57 : memref<1024xf32, #tpu.memory_space<hbm>>) target(%dma_start3A_56 : memref<1024xf32, #tpu.memory_space<vmem>>) target_semaphore(%arg7 : memref<!tpu.dma_semaphore, #tpu.memory_space<semaphore_mem>>)
    %add3A_58 = arith.constant 7168 : i32
    %add3A_59 = arith.addi %mul3A_2, %add3A_58 : i32
    %dma_start3A_60 = arith.constant 7224 : i32
    %dma_start3A_61 = tpu.memref_slice %arg4[%dma_start3A_60] : memref<16512xf32, #tpu.memory_space<vmem>> -> memref<1024xf32, #tpu.memory_space<vmem>>
    %dma_start3A_62 = tpu.memref_slice %arg2[%add3A_59] : memref<524288xf32, #tpu.memory_space<hbm>> -> memref<1024xf32, #tpu.memory_space<hbm>>
    %dma_start3A_63 = arith.constant 7224 : i32
    %dma_start3A_64 = tpu.memref_slice %arg4[%dma_start3A_63] : memref<16512xf32, #tpu.memory_space<vmem>> -> memref<1024xf32, #tpu.memory_space<vmem>>
    %dma_start3A_65 = tpu.memref_slice %arg2[%add3A_59] : memref<524288xf32, #tpu.memory_space<hbm>> -> memref<1024xf32, #tpu.memory_space<hbm>>
    tpu.enqueue_dma source(%dma_start3A_65 : memref<1024xf32, #tpu.memory_space<hbm>>) target(%dma_start3A_64 : memref<1024xf32, #tpu.memory_space<vmem>>) target_semaphore(%arg7 : memref<!tpu.dma_semaphore, #tpu.memory_space<semaphore_mem>>)
    %add3A_66 = arith.constant 8192 : i32
    %add3A_67 = arith.addi %mul3A_2, %add3A_66 : i32
    %dma_start3A_68 = arith.constant 8256 : i32
    %dma_start3A_69 = tpu.memref_slice %arg4[%dma_start3A_68] : memref<16512xf32, #tpu.memory_space<vmem>> -> memref<1024xf32, #tpu.memory_space<vmem>>
    %dma_start3A_70 = tpu.memref_slice %arg2[%add3A_67] : memref<524288xf32, #tpu.memory_space<hbm>> -> memref<1024xf32, #tpu.memory_space<hbm>>
    %dma_start3A_71 = arith.constant 8256 : i32
    %dma_start3A_72 = tpu.memref_slice %arg4[%dma_start3A_71] : memref<16512xf32, #tpu.memory_space<vmem>> -> memref<1024xf32, #tpu.memory_space<vmem>>
    %dma_start3A_73 = tpu.memref_slice %arg2[%add3A_67] : memref<524288xf32, #tpu.memory_space<hbm>> -> memref<1024xf32, #tpu.memory_space<hbm>>
    tpu.enqueue_dma source(%dma_start3A_73 : memref<1024xf32, #tpu.memory_space<hbm>>) target(%dma_start3A_72 : memref<1024xf32, #tpu.memory_space<vmem>>) target_semaphore(%arg7 : memref<!tpu.dma_semaphore, #tpu.memory_space<semaphore_mem>>)
    %add3A_74 = arith.constant 9216 : i32
    %add3A_75 = arith.addi %mul3A_2, %add3A_74 : i32
    %dma_start3A_76 = arith.constant 9288 : i32
    %dma_start3A_77 = tpu.memref_slice %arg4[%dma_start3A_76] : memref<16512xf32, #tpu.memory_space<vmem>> -> memref<1024xf32, #tpu.memory_space<vmem>>
    %dma_start3A_78 = tpu.memref_slice %arg2[%add3A_75] : memref<524288xf32, #tpu.memory_space<hbm>> -> memref<1024xf32, #tpu.memory_space<hbm>>
    %dma_start3A_79 = arith.constant 9288 : i32
    %dma_start3A_80 = tpu.memref_slice %arg4[%dma_start3A_79] : memref<16512xf32, #tpu.memory_space<vmem>> -> memref<1024xf32, #tpu.memory_space<vmem>>
    %dma_start3A_81 = tpu.memref_slice %arg2[%add3A_75] : memref<524288xf32, #tpu.memory_space<hbm>> -> memref<1024xf32, #tpu.memory_space<hbm>>
    tpu.enqueue_dma source(%dma_start3A_81 : memref<1024xf32, #tpu.memory_space<hbm>>) target(%dma_start3A_80 : memref<1024xf32, #tpu.memory_space<vmem>>) target_semaphore(%arg7 : memref<!tpu.dma_semaphore, #tpu.memory_space<semaphore_mem>>)
    %add3A_82 = arith.constant 10240 : i32
    %add3A_83 = arith.addi %mul3A_2, %add3A_82 : i32
    %dma_start3A_84 = arith.constant 10320 : i32
    %dma_start3A_85 = tpu.memref_slice %arg4[%dma_start3A_84] : memref<16512xf32, #tpu.memory_space<vmem>> -> memref<1024xf32, #tpu.memory_space<vmem>>
    %dma_start3A_86 = tpu.memref_slice %arg2[%add3A_83] : memref<524288xf32, #tpu.memory_space<hbm>> -> memref<1024xf32, #tpu.memory_space<hbm>>
    %dma_start3A_87 = arith.constant 10320 : i32
    %dma_start3A_88 = tpu.memref_slice %arg4[%dma_start3A_87] : memref<16512xf32, #tpu.memory_space<vmem>> -> memref<1024xf32, #tpu.memory_space<vmem>>
    %dma_start3A_89 = tpu.memref_slice %arg2[%add3A_83] : memref<524288xf32, #tpu.memory_space<hbm>> -> memref<1024xf32, #tpu.memory_space<hbm>>
    tpu.enqueue_dma source(%dma_start3A_89 : memref<1024xf32, #tpu.memory_space<hbm>>) target(%dma_start3A_88 : memref<1024xf32, #tpu.memory_space<vmem>>) target_semaphore(%arg7 : memref<!tpu.dma_semaphore, #tpu.memory_space<semaphore_mem>>)
    %add3A_90 = arith.constant 11264 : i32
    %add3A_91 = arith.addi %mul3A_2, %add3A_90 : i32
    %dma_start3A_92 = arith.constant 11352 : i32
    %dma_start3A_93 = tpu.memref_slice %arg4[%dma_start3A_92] : memref<16512xf32, #tpu.memory_space<vmem>> -> memref<1024xf32, #tpu.memory_space<vmem>>
    %dma_start3A_94 = tpu.memref_slice %arg2[%add3A_91] : memref<524288xf32, #tpu.memory_space<hbm>> -> memref<1024xf32, #tpu.memory_space<hbm>>
    %dma_start3A_95 = arith.constant 11352 : i32
    %dma_start3A_96 = tpu.memref_slice %arg4[%dma_start3A_95] : memref<16512xf32, #tpu.memory_space<vmem>> -> memref<1024xf32, #tpu.memory_space<vmem>>
    %dma_start3A_97 = tpu.memref_slice %arg2[%add3A_91] : memref<524288xf32, #tpu.memory_space<hbm>> -> memref<1024xf32, #tpu.memory_space<hbm>>
    tpu.enqueue_dma source(%dma_start3A_97 : memref<1024xf32, #tpu.memory_space<hbm>>) target(%dma_start3A_96 : memref<1024xf32, #tpu.memory_space<vmem>>) target_semaphore(%arg7 : memref<!tpu.dma_semaphore, #tpu.memory_space<semaphore_mem>>)
    %add3A_98 = arith.constant 12288 : i32
    %add3A_99 = arith.addi %mul3A_2, %add3A_98 : i32
    %dma_start3A_100 = arith.constant 12384 : i32
    %dma_start3A_101 = tpu.memref_slice %arg4[%dma_start3A_100] : memref<16512xf32, #tpu.memory_space<vmem>> -> memref<1024xf32, #tpu.memory_space<vmem>>
    %dma_start3A_102 = tpu.memref_slice %arg2[%add3A_99] : memref<524288xf32, #tpu.memory_space<hbm>> -> memref<1024xf32, #tpu.memory_space<hbm>>
    %dma_start3A_103 = arith.constant 12384 : i32
    %dma_start3A_104 = tpu.memref_slice %arg4[%dma_start3A_103] : memref<16512xf32, #tpu.memory_space<vmem>> -> memref<1024xf32, #tpu.memory_space<vmem>>
    %dma_start3A_105 = tpu.memref_slice %arg2[%add3A_99] : memref<524288xf32, #tpu.memory_space<hbm>> -> memref<1024xf32, #tpu.memory_space<hbm>>
    tpu.enqueue_dma source(%dma_start3A_105 : memref<1024xf32, #tpu.memory_space<hbm>>) target(%dma_start3A_104 : memref<1024xf32, #tpu.memory_space<vmem>>) target_semaphore(%arg7 : memref<!tpu.dma_semaphore, #tpu.memory_space<semaphore_mem>>)
    %add3A_106 = arith.constant 13312 : i32
    %add3A_107 = arith.addi %mul3A_2, %add3A_106 : i32
    %dma_start3A_108 = arith.constant 13416 : i32
    %dma_start3A_109 = tpu.memref_slice %arg4[%dma_start3A_108] : memref<16512xf32, #tpu.memory_space<vmem>> -> memref<1024xf32, #tpu.memory_space<vmem>>
    %dma_start3A_110 = tpu.memref_slice %arg2[%add3A_107] : memref<524288xf32, #tpu.memory_space<hbm>> -> memref<1024xf32, #tpu.memory_space<hbm>>
    %dma_start3A_111 = arith.constant 13416 : i32
    %dma_start3A_112 = tpu.memref_slice %arg4[%dma_start3A_111] : memref<16512xf32, #tpu.memory_space<vmem>> -> memref<1024xf32, #tpu.memory_space<vmem>>
    %dma_start3A_113 = tpu.memref_slice %arg2[%add3A_107] : memref<524288xf32, #tpu.memory_space<hbm>> -> memref<1024xf32, #tpu.memory_space<hbm>>
    tpu.enqueue_dma source(%dma_start3A_113 : memref<1024xf32, #tpu.memory_space<hbm>>) target(%dma_start3A_112 : memref<1024xf32, #tpu.memory_space<vmem>>) target_semaphore(%arg7 : memref<!tpu.dma_semaphore, #tpu.memory_space<semaphore_mem>>)
    %add3A_114 = arith.constant 14336 : i32
    %add3A_115 = arith.addi %mul3A_2, %add3A_114 : i32
    %dma_start3A_116 = arith.constant 14448 : i32
    %dma_start3A_117 = tpu.memref_slice %arg4[%dma_start3A_116] : memref<16512xf32, #tpu.memory_space<vmem>> -> memref<1024xf32, #tpu.memory_space<vmem>>
    %dma_start3A_118 = tpu.memref_slice %arg2[%add3A_115] : memref<524288xf32, #tpu.memory_space<hbm>> -> memref<1024xf32, #tpu.memory_space<hbm>>
    %dma_start3A_119 = arith.constant 14448 : i32
    %dma_start3A_120 = tpu.memref_slice %arg4[%dma_start3A_119] : memref<16512xf32, #tpu.memory_space<vmem>> -> memref<1024xf32, #tpu.memory_space<vmem>>
    %dma_start3A_121 = tpu.memref_slice %arg2[%add3A_115] : memref<524288xf32, #tpu.memory_space<hbm>> -> memref<1024xf32, #tpu.memory_space<hbm>>
    tpu.enqueue_dma source(%dma_start3A_121 : memref<1024xf32, #tpu.memory_space<hbm>>) target(%dma_start3A_120 : memref<1024xf32, #tpu.memory_space<vmem>>) target_semaphore(%arg7 : memref<!tpu.dma_semaphore, #tpu.memory_space<semaphore_mem>>)
    %add3A_122 = arith.constant 15360 : i32
    %add3A_123 = arith.addi %mul3A_2, %add3A_122 : i32
    %dma_start3A_124 = arith.constant 15480 : i32
    %dma_start3A_125 = tpu.memref_slice %arg4[%dma_start3A_124] : memref<16512xf32, #tpu.memory_space<vmem>> -> memref<1024xf32, #tpu.memory_space<vmem>>
    %dma_start3A_126 = tpu.memref_slice %arg2[%add3A_123] : memref<524288xf32, #tpu.memory_space<hbm>> -> memref<1024xf32, #tpu.memory_space<hbm>>
    %dma_start3A_127 = arith.constant 15480 : i32
    %dma_start3A_128 = tpu.memref_slice %arg4[%dma_start3A_127] : memref<16512xf32, #tpu.memory_space<vmem>> -> memref<1024xf32, #tpu.memory_space<vmem>>
    %dma_start3A_129 = tpu.memref_slice %arg2[%add3A_123] : memref<524288xf32, #tpu.memory_space<hbm>> -> memref<1024xf32, #tpu.memory_space<hbm>>
    tpu.enqueue_dma source(%dma_start3A_129 : memref<1024xf32, #tpu.memory_space<hbm>>) target(%dma_start3A_128 : memref<1024xf32, #tpu.memory_space<vmem>>) target_semaphore(%arg7 : memref<!tpu.dma_semaphore, #tpu.memory_space<semaphore_mem>>)
    %dma_wait3A = arith.constant 0 : i32
    %dma_wait3A_130 = tpu.memref_slice %arg4[%dma_wait3A] : memref<16512xf32, #tpu.memory_space<vmem>> -> memref<1024xf32, #tpu.memory_space<vmem>>
    %dma_wait3A_131 = tpu.memref_slice %arg2[%add3A_4] : memref<524288xf32, #tpu.memory_space<hbm>> -> memref<1024xf32, #tpu.memory_space<hbm>>
    %dma_wait3A_132 = arith.constant 0 : i32
    %dma_wait3A_133 = tpu.memref_slice %arg4[%dma_wait3A_132] : memref<16512xf32, #tpu.memory_space<vmem>> -> memref<1024xf32, #tpu.memory_space<vmem>>
    %dma_wait3A_134 = tpu.memref_slice %arg2[%add3A_4] : memref<524288xf32, #tpu.memory_space<hbm>> -> memref<1024xf32, #tpu.memory_space<hbm>>
    tpu.wait_dma2 semaphore(%arg7 : memref<!tpu.dma_semaphore, #tpu.memory_space<semaphore_mem>>) src(%dma_wait3A_134 : memref<1024xf32, #tpu.memory_space<hbm>>) dst(%dma_wait3A_133 : memref<1024xf32, #tpu.memory_space<vmem>>)
    %dma_wait3A_135 = arith.constant 1032 : i32
    %dma_wait3A_136 = tpu.memref_slice %arg4[%dma_wait3A_135] : memref<16512xf32, #tpu.memory_space<vmem>> -> memref<1024xf32, #tpu.memory_space<vmem>>
    %dma_wait3A_137 = tpu.memref_slice %arg2[%add3A_11] : memref<524288xf32, #tpu.memory_space<hbm>> -> memref<1024xf32, #tpu.memory_space<hbm>>
    %dma_wait3A_138 = arith.constant 1032 : i32
    %dma_wait3A_139 = tpu.memref_slice %arg4[%dma_wait3A_138] : memref<16512xf32, #tpu.memory_space<vmem>> -> memref<1024xf32, #tpu.memory_space<vmem>>
    %dma_wait3A_140 = tpu.memref_slice %arg2[%add3A_11] : memref<524288xf32, #tpu.memory_space<hbm>> -> memref<1024xf32, #tpu.memory_space<hbm>>
    tpu.wait_dma2 semaphore(%arg7 : memref<!tpu.dma_semaphore, #tpu.memory_space<semaphore_mem>>) src(%dma_wait3A_140 : memref<1024xf32, #tpu.memory_space<hbm>>) dst(%dma_wait3A_139 : memref<1024xf32, #tpu.memory_space<vmem>>)
    %dma_wait3A_141 = arith.constant 2064 : i32
    %dma_wait3A_142 = tpu.memref_slice %arg4[%dma_wait3A_141] : memref<16512xf32, #tpu.memory_space<vmem>> -> memref<1024xf32, #tpu.memory_space<vmem>>
    %dma_wait3A_143 = tpu.memref_slice %arg2[%add3A_19] : memref<524288xf32, #tpu.memory_space<hbm>> -> memref<1024xf32, #tpu.memory_space<hbm>>
    %dma_wait3A_144 = arith.constant 2064 : i32
    %dma_wait3A_145 = tpu.memref_slice %arg4[%dma_wait3A_144] : memref<16512xf32, #tpu.memory_space<vmem>> -> memref<1024xf32, #tpu.memory_space<vmem>>
    %dma_wait3A_146 = tpu.memref_slice %arg2[%add3A_19] : memref<524288xf32, #tpu.memory_space<hbm>> -> memref<1024xf32, #tpu.memory_space<hbm>>
    tpu.wait_dma2 semaphore(%arg7 : memref<!tpu.dma_semaphore, #tpu.memory_space<semaphore_mem>>) src(%dma_wait3A_146 : memref<1024xf32, #tpu.memory_space<hbm>>) dst(%dma_wait3A_145 : memref<1024xf32, #tpu.memory_space<vmem>>)
    %dma_wait3A_147 = arith.constant 3096 : i32
    %dma_wait3A_148 = tpu.memref_slice %arg4[%dma_wait3A_147] : memref<16512xf32, #tpu.memory_space<vmem>> -> memref<1024xf32, #tpu.memory_space<vmem>>
    %dma_wait3A_149 = tpu.memref_slice %arg2[%add3A_27] : memref<524288xf32, #tpu.memory_space<hbm>> -> memref<1024xf32, #tpu.memory_space<hbm>>
    %dma_wait3A_150 = arith.constant 3096 : i32
    %dma_wait3A_151 = tpu.memref_slice %arg4[%dma_wait3A_150] : memref<16512xf32, #tpu.memory_space<vmem>> -> memref<1024xf32, #tpu.memory_space<vmem>>
    %dma_wait3A_152 = tpu.memref_slice %arg2[%add3A_27] : memref<524288xf32, #tpu.memory_space<hbm>> -> memref<1024xf32, #tpu.memory_space<hbm>>
    tpu.wait_dma2 semaphore(%arg7 : memref<!tpu.dma_semaphore, #tpu.memory_space<semaphore_mem>>) src(%dma_wait3A_152 : memref<1024xf32, #tpu.memory_space<hbm>>) dst(%dma_wait3A_151 : memref<1024xf32, #tpu.memory_space<vmem>>)
    %dma_wait3A_153 = arith.constant 4128 : i32
    %dma_wait3A_154 = tpu.memref_slice %arg4[%dma_wait3A_153] : memref<16512xf32, #tpu.memory_space<vmem>> -> memref<1024xf32, #tpu.memory_space<vmem>>
    %dma_wait3A_155 = tpu.memref_slice %arg2[%add3A_35] : memref<524288xf32, #tpu.memory_space<hbm>> -> memref<1024xf32, #tpu.memory_space<hbm>>
    %dma_wait3A_156 = arith.constant 4128 : i32
    %dma_wait3A_157 = tpu.memref_slice %arg4[%dma_wait3A_156] : memref<16512xf32, #tpu.memory_space<vmem>> -> memref<1024xf32, #tpu.memory_space<vmem>>
    %dma_wait3A_158 = tpu.memref_slice %arg2[%add3A_35] : memref<524288xf32, #tpu.memory_space<hbm>> -> memref<1024xf32, #tpu.memory_space<hbm>>
    tpu.wait_dma2 semaphore(%arg7 : memref<!tpu.dma_semaphore, #tpu.memory_space<semaphore_mem>>) src(%dma_wait3A_158 : memref<1024xf32, #tpu.memory_space<hbm>>) dst(%dma_wait3A_157 : memref<1024xf32, #tpu.memory_space<vmem>>)
    %dma_wait3A_159 = arith.constant 5160 : i32
    %dma_wait3A_160 = tpu.memref_slice %arg4[%dma_wait3A_159] : memref<16512xf32, #tpu.memory_space<vmem>> -> memref<1024xf32, #tpu.memory_space<vmem>>
    %dma_wait3A_161 = tpu.memref_slice %arg2[%add3A_43] : memref<524288xf32, #tpu.memory_space<hbm>> -> memref<1024xf32, #tpu.memory_space<hbm>>
    %dma_wait3A_162 = arith.constant 5160 : i32
    %dma_wait3A_163 = tpu.memref_slice %arg4[%dma_wait3A_162] : memref<16512xf32, #tpu.memory_space<vmem>> -> memref<1024xf32, #tpu.memory_space<vmem>>
    %dma_wait3A_164 = tpu.memref_slice %arg2[%add3A_43] : memref<524288xf32, #tpu.memory_space<hbm>> -> memref<1024xf32, #tpu.memory_space<hbm>>
    tpu.wait_dma2 semaphore(%arg7 : memref<!tpu.dma_semaphore, #tpu.memory_space<semaphore_mem>>) src(%dma_wait3A_164 : memref<1024xf32, #tpu.memory_space<hbm>>) dst(%dma_wait3A_163 : memref<1024xf32, #tpu.memory_space<vmem>>)
    %dma_wait3A_165 = arith.constant 6192 : i32
    %dma_wait3A_166 = tpu.memref_slice %arg4[%dma_wait3A_165] : memref<16512xf32, #tpu.memory_space<vmem>> -> memref<1024xf32, #tpu.memory_space<vmem>>
    %dma_wait3A_167 = tpu.memref_slice %arg2[%add3A_51] : memref<524288xf32, #tpu.memory_space<hbm>> -> memref<1024xf32, #tpu.memory_space<hbm>>
    %dma_wait3A_168 = arith.constant 6192 : i32
    %dma_wait3A_169 = tpu.memref_slice %arg4[%dma_wait3A_168] : memref<16512xf32, #tpu.memory_space<vmem>> -> memref<1024xf32, #tpu.memory_space<vmem>>
    %dma_wait3A_170 = tpu.memref_slice %arg2[%add3A_51] : memref<524288xf32, #tpu.memory_space<hbm>> -> memref<1024xf32, #tpu.memory_space<hbm>>
    tpu.wait_dma2 semaphore(%arg7 : memref<!tpu.dma_semaphore, #tpu.memory_space<semaphore_mem>>) src(%dma_wait3A_170 : memref<1024xf32, #tpu.memory_space<hbm>>) dst(%dma_wait3A_169 : memref<1024xf32, #tpu.memory_space<vmem>>)
    %dma_wait3A_171 = arith.constant 7224 : i32
    %dma_wait3A_172 = tpu.memref_slice %arg4[%dma_wait3A_171] : memref<16512xf32, #tpu.memory_space<vmem>> -> memref<1024xf32, #tpu.memory_space<vmem>>
    %dma_wait3A_173 = tpu.memref_slice %arg2[%add3A_59] : memref<524288xf32, #tpu.memory_space<hbm>> -> memref<1024xf32, #tpu.memory_space<hbm>>
    %dma_wait3A_174 = arith.constant 7224 : i32
    %dma_wait3A_175 = tpu.memref_slice %arg4[%dma_wait3A_174] : memref<16512xf32, #tpu.memory_space<vmem>> -> memref<1024xf32, #tpu.memory_space<vmem>>
    %dma_wait3A_176 = tpu.memref_slice %arg2[%add3A_59] : memref<524288xf32, #tpu.memory_space<hbm>> -> memref<1024xf32, #tpu.memory_space<hbm>>
    tpu.wait_dma2 semaphore(%arg7 : memref<!tpu.dma_semaphore, #tpu.memory_space<semaphore_mem>>) src(%dma_wait3A_176 : memref<1024xf32, #tpu.memory_space<hbm>>) dst(%dma_wait3A_175 : memref<1024xf32, #tpu.memory_space<vmem>>)
    %dma_wait3A_177 = arith.constant 8256 : i32
    %dma_wait3A_178 = tpu.memref_slice %arg4[%dma_wait3A_177] : memref<16512xf32, #tpu.memory_space<vmem>> -> memref<1024xf32, #tpu.memory_space<vmem>>
    %dma_wait3A_179 = tpu.memref_slice %arg2[%add3A_67] : memref<524288xf32, #tpu.memory_space<hbm>> -> memref<1024xf32, #tpu.memory_space<hbm>>
    %dma_wait3A_180 = arith.constant 8256 : i32
    %dma_wait3A_181 = tpu.memref_slice %arg4[%dma_wait3A_180] : memref<16512xf32, #tpu.memory_space<vmem>> -> memref<1024xf32, #tpu.memory_space<vmem>>
    %dma_wait3A_182 = tpu.memref_slice %arg2[%add3A_67] : memref<524288xf32, #tpu.memory_space<hbm>> -> memref<1024xf32, #tpu.memory_space<hbm>>
    tpu.wait_dma2 semaphore(%arg7 : memref<!tpu.dma_semaphore, #tpu.memory_space<semaphore_mem>>) src(%dma_wait3A_182 : memref<1024xf32, #tpu.memory_space<hbm>>) dst(%dma_wait3A_181 : memref<1024xf32, #tpu.memory_space<vmem>>)
    %dma_wait3A_183 = arith.constant 9288 : i32
    %dma_wait3A_184 = tpu.memref_slice %arg4[%dma_wait3A_183] : memref<16512xf32, #tpu.memory_space<vmem>> -> memref<1024xf32, #tpu.memory_space<vmem>>
    %dma_wait3A_185 = tpu.memref_slice %arg2[%add3A_75] : memref<524288xf32, #tpu.memory_space<hbm>> -> memref<1024xf32, #tpu.memory_space<hbm>>
    %dma_wait3A_186 = arith.constant 9288 : i32
    %dma_wait3A_187 = tpu.memref_slice %arg4[%dma_wait3A_186] : memref<16512xf32, #tpu.memory_space<vmem>> -> memref<1024xf32, #tpu.memory_space<vmem>>
    %dma_wait3A_188 = tpu.memref_slice %arg2[%add3A_75] : memref<524288xf32, #tpu.memory_space<hbm>> -> memref<1024xf32, #tpu.memory_space<hbm>>
    tpu.wait_dma2 semaphore(%arg7 : memref<!tpu.dma_semaphore, #tpu.memory_space<semaphore_mem>>) src(%dma_wait3A_188 : memref<1024xf32, #tpu.memory_space<hbm>>) dst(%dma_wait3A_187 : memref<1024xf32, #tpu.memory_space<vmem>>)
    %dma_wait3A_189 = arith.constant 10320 : i32
    %dma_wait3A_190 = tpu.memref_slice %arg4[%dma_wait3A_189] : memref<16512xf32, #tpu.memory_space<vmem>> -> memref<1024xf32, #tpu.memory_space<vmem>>
    %dma_wait3A_191 = tpu.memref_slice %arg2[%add3A_83] : memref<524288xf32, #tpu.memory_space<hbm>> -> memref<1024xf32, #tpu.memory_space<hbm>>
    %dma_wait3A_192 = arith.constant 10320 : i32
    %dma_wait3A_193 = tpu.memref_slice %arg4[%dma_wait3A_192] : memref<16512xf32, #tpu.memory_space<vmem>> -> memref<1024xf32, #tpu.memory_space<vmem>>
    %dma_wait3A_194 = tpu.memref_slice %arg2[%add3A_83] : memref<524288xf32, #tpu.memory_space<hbm>> -> memref<1024xf32, #tpu.memory_space<hbm>>
    tpu.wait_dma2 semaphore(%arg7 : memref<!tpu.dma_semaphore, #tpu.memory_space<semaphore_mem>>) src(%dma_wait3A_194 : memref<1024xf32, #tpu.memory_space<hbm>>) dst(%dma_wait3A_193 : memref<1024xf32, #tpu.memory_space<vmem>>)
    %dma_wait3A_195 = arith.constant 11352 : i32
    %dma_wait3A_196 = tpu.memref_slice %arg4[%dma_wait3A_195] : memref<16512xf32, #tpu.memory_space<vmem>> -> memref<1024xf32, #tpu.memory_space<vmem>>
    %dma_wait3A_197 = tpu.memref_slice %arg2[%add3A_91] : memref<524288xf32, #tpu.memory_space<hbm>> -> memref<1024xf32, #tpu.memory_space<hbm>>
    %dma_wait3A_198 = arith.constant 11352 : i32
    %dma_wait3A_199 = tpu.memref_slice %arg4[%dma_wait3A_198] : memref<16512xf32, #tpu.memory_space<vmem>> -> memref<1024xf32, #tpu.memory_space<vmem>>
    %dma_wait3A_200 = tpu.memref_slice %arg2[%add3A_91] : memref<524288xf32, #tpu.memory_space<hbm>> -> memref<1024xf32, #tpu.memory_space<hbm>>
    tpu.wait_dma2 semaphore(%arg7 : memref<!tpu.dma_semaphore, #tpu.memory_space<semaphore_mem>>) src(%dma_wait3A_200 : memref<1024xf32, #tpu.memory_space<hbm>>) dst(%dma_wait3A_199 : memref<1024xf32, #tpu.memory_space<vmem>>)
    %dma_wait3A_201 = arith.constant 12384 : i32
    %dma_wait3A_202 = tpu.memref_slice %arg4[%dma_wait3A_201] : memref<16512xf32, #tpu.memory_space<vmem>> -> memref<1024xf32, #tpu.memory_space<vmem>>
    %dma_wait3A_203 = tpu.memref_slice %arg2[%add3A_99] : memref<524288xf32, #tpu.memory_space<hbm>> -> memref<1024xf32, #tpu.memory_space<hbm>>
    %dma_wait3A_204 = arith.constant 12384 : i32
    %dma_wait3A_205 = tpu.memref_slice %arg4[%dma_wait3A_204] : memref<16512xf32, #tpu.memory_space<vmem>> -> memref<1024xf32, #tpu.memory_space<vmem>>
    %dma_wait3A_206 = tpu.memref_slice %arg2[%add3A_99] : memref<524288xf32, #tpu.memory_space<hbm>> -> memref<1024xf32, #tpu.memory_space<hbm>>
    tpu.wait_dma2 semaphore(%arg7 : memref<!tpu.dma_semaphore, #tpu.memory_space<semaphore_mem>>) src(%dma_wait3A_206 : memref<1024xf32, #tpu.memory_space<hbm>>) dst(%dma_wait3A_205 : memref<1024xf32, #tpu.memory_space<vmem>>)
    %dma_wait3A_207 = arith.constant 13416 : i32
    %dma_wait3A_208 = tpu.memref_slice %arg4[%dma_wait3A_207] : memref<16512xf32, #tpu.memory_space<vmem>> -> memref<1024xf32, #tpu.memory_space<vmem>>
    %dma_wait3A_209 = tpu.memref_slice %arg2[%add3A_107] : memref<524288xf32, #tpu.memory_space<hbm>> -> memref<1024xf32, #tpu.memory_space<hbm>>
    %dma_wait3A_210 = arith.constant 13416 : i32
    %dma_wait3A_211 = tpu.memref_slice %arg4[%dma_wait3A_210] : memref<16512xf32, #tpu.memory_space<vmem>> -> memref<1024xf32, #tpu.memory_space<vmem>>
    %dma_wait3A_212 = tpu.memref_slice %arg2[%add3A_107] : memref<524288xf32, #tpu.memory_space<hbm>> -> memref<1024xf32, #tpu.memory_space<hbm>>
    tpu.wait_dma2 semaphore(%arg7 : memref<!tpu.dma_semaphore, #tpu.memory_space<semaphore_mem>>) src(%dma_wait3A_212 : memref<1024xf32, #tpu.memory_space<hbm>>) dst(%dma_wait3A_211 : memref<1024xf32, #tpu.memory_space<vmem>>)
    %dma_wait3A_213 = arith.constant 14448 : i32
    %dma_wait3A_214 = tpu.memref_slice %arg4[%dma_wait3A_213] : memref<16512xf32, #tpu.memory_space<vmem>> -> memref<1024xf32, #tpu.memory_space<vmem>>
    %dma_wait3A_215 = tpu.memref_slice %arg2[%add3A_115] : memref<524288xf32, #tpu.memory_space<hbm>> -> memref<1024xf32, #tpu.memory_space<hbm>>
    %dma_wait3A_216 = arith.constant 14448 : i32
    %dma_wait3A_217 = tpu.memref_slice %arg4[%dma_wait3A_216] : memref<16512xf32, #tpu.memory_space<vmem>> -> memref<1024xf32, #tpu.memory_space<vmem>>
    %dma_wait3A_218 = tpu.memref_slice %arg2[%add3A_115] : memref<524288xf32, #tpu.memory_space<hbm>> -> memref<1024xf32, #tpu.memory_space<hbm>>
    tpu.wait_dma2 semaphore(%arg7 : memref<!tpu.dma_semaphore, #tpu.memory_space<semaphore_mem>>) src(%dma_wait3A_218 : memref<1024xf32, #tpu.memory_space<hbm>>) dst(%dma_wait3A_217 : memref<1024xf32, #tpu.memory_space<vmem>>)
    %dma_wait3A_219 = arith.constant 15480 : i32
    %dma_wait3A_220 = tpu.memref_slice %arg4[%dma_wait3A_219] : memref<16512xf32, #tpu.memory_space<vmem>> -> memref<1024xf32, #tpu.memory_space<vmem>>
    %dma_wait3A_221 = tpu.memref_slice %arg2[%add3A_123] : memref<524288xf32, #tpu.memory_space<hbm>> -> memref<1024xf32, #tpu.memory_space<hbm>>
    %dma_wait3A_222 = arith.constant 15480 : i32
    %dma_wait3A_223 = tpu.memref_slice %arg4[%dma_wait3A_222] : memref<16512xf32, #tpu.memory_space<vmem>> -> memref<1024xf32, #tpu.memory_space<vmem>>
    %dma_wait3A_224 = tpu.memref_slice %arg2[%add3A_123] : memref<524288xf32, #tpu.memory_space<hbm>> -> memref<1024xf32, #tpu.memory_space<hbm>>
    tpu.wait_dma2 semaphore(%arg7 : memref<!tpu.dma_semaphore, #tpu.memory_space<semaphore_mem>>) src(%dma_wait3A_224 : memref<1024xf32, #tpu.memory_space<hbm>>) dst(%dma_wait3A_223 : memref<1024xf32, #tpu.memory_space<vmem>>)
    %iota3A = tpu.iota {dimensions = array<i32: 0>} : vector<16xi32>
    %mul3A_225 = arith.constant 1032 : i32
    %mul3A_226 = vector.broadcast %mul3A_225 : i32 to vector<16xi32>
    %mul3A_227 = arith.muli %iota3A, %mul3A_226 : vector<16xi32>
    %broadcast_in_dim3A = arith.constant -3.000000e+30 : f32
    %broadcast_in_dim3A_228 = vector.broadcast %broadcast_in_dim3A : f32 to vector<16xf32>
    %broadcast_in_dim3A_229 = arith.constant -2.024000e+03 : f32
    %broadcast_in_dim3A_230 = vector.broadcast %broadcast_in_dim3A_229 : f32 to vector<16xf32>
    %broadcast_in_dim3A_231 = arith.constant 1 : i32
    %broadcast_in_dim3A_232 = vector.broadcast %broadcast_in_dim3A_231 : i32 to vector<16xi32>
    %broadcast_in_dim3A_233 = arith.constant 1.000000e+00 : f32
    %broadcast_in_dim3A_234 = vector.broadcast %broadcast_in_dim3A_233 : f32 to vector<16xf32>
    %add3A_235 = arith.constant 128 : i32
    %add3A_236 = vector.broadcast %add3A_235 : i32 to vector<16xi32>
    %add3A_237 = arith.addi %mul3A_227, %add3A_236 : vector<16xi32>
    %add3A_238 = arith.constant 256 : i32
    %add3A_239 = vector.broadcast %add3A_238 : i32 to vector<16xi32>
    %add3A_240 = arith.addi %mul3A_227, %add3A_239 : vector<16xi32>
    %add3A_241 = arith.constant 384 : i32
    %add3A_242 = vector.broadcast %add3A_241 : i32 to vector<16xi32>
    %add3A_243 = arith.addi %mul3A_227, %add3A_242 : vector<16xi32>
    %add3A_244 = arith.constant 512 : i32
    %add3A_245 = vector.broadcast %add3A_244 : i32 to vector<16xi32>
    %add3A_246 = arith.addi %mul3A_227, %add3A_245 : vector<16xi32>
    %add3A_247 = arith.constant 640 : i32
    %add3A_248 = vector.broadcast %add3A_247 : i32 to vector<16xi32>
    %add3A_249 = arith.addi %mul3A_227, %add3A_248 : vector<16xi32>
    %add3A_250 = arith.constant 768 : i32
    %add3A_251 = vector.broadcast %add3A_250 : i32 to vector<16xi32>
    %add3A_252 = arith.addi %mul3A_227, %add3A_251 : vector<16xi32>
    %add3A_253 = arith.constant 896 : i32
    %add3A_254 = vector.broadcast %add3A_253 : i32 to vector<16xi32>
    %add3A_255 = arith.addi %mul3A_227, %add3A_254 : vector<16xi32>
    %broadcast_in_dim3A_256 = arith.constant 1.280000e+02 : f32
    %broadcast_in_dim3A_257 = vector.broadcast %broadcast_in_dim3A_256 : f32 to vector<16xf32>
    %broadcast_in_dim3A_258 = arith.constant 2.560000e+02 : f32
    %broadcast_in_dim3A_259 = vector.broadcast %broadcast_in_dim3A_258 : f32 to vector<16xf32>
    %broadcast_in_dim3A_260 = arith.constant 3.840000e+02 : f32
    %broadcast_in_dim3A_261 = vector.broadcast %broadcast_in_dim3A_260 : f32 to vector<16xf32>
    %broadcast_in_dim3A_262 = arith.constant 5.120000e+02 : f32
    %broadcast_in_dim3A_263 = vector.broadcast %broadcast_in_dim3A_262 : f32 to vector<16xf32>
    %broadcast_in_dim3A_264 = arith.constant 6.400000e+02 : f32
    %broadcast_in_dim3A_265 = vector.broadcast %broadcast_in_dim3A_264 : f32 to vector<16xf32>
    %broadcast_in_dim3A_266 = arith.constant 7.680000e+02 : f32
    %broadcast_in_dim3A_267 = vector.broadcast %broadcast_in_dim3A_266 : f32 to vector<16xf32>
    %broadcast_in_dim3A_268 = arith.constant 8.960000e+02 : f32
    %broadcast_in_dim3A_269 = vector.broadcast %broadcast_in_dim3A_268 : f32 to vector<16xf32>
    %parallel_loop3A = arith.constant 0 : i32
    %parallel_loop3A_270 = arith.constant 128 : i32
    %parallel_loop3A_271 = arith.constant 1 : i32
    %parallel_loop3A_272:21 = scf.for %parallel_loop3A_541 = %parallel_loop3A to %parallel_loop3A_270 step %parallel_loop3A_271 iter_args(%parallel_loop3A_542 = %add3A_237, %parallel_loop3A_543 = %add3A_240, %parallel_loop3A_544 = %add3A_243, %parallel_loop3A_545 = %add3A_246, %parallel_loop3A_546 = %add3A_249, %parallel_loop3A_547 = %add3A_252, %parallel_loop3A_548 = %add3A_255, %parallel_loop3A_549 = %broadcast_in_dim3A_257, %parallel_loop3A_550 = %broadcast_in_dim3A_259, %parallel_loop3A_551 = %broadcast_in_dim3A_261, %parallel_loop3A_552 = %broadcast_in_dim3A_263, %parallel_loop3A_553 = %broadcast_in_dim3A_265, %parallel_loop3A_554 = %broadcast_in_dim3A_267, %parallel_loop3A_555 = %broadcast_in_dim3A_269, %parallel_loop3A_556 = %broadcast_in_dim3A_228, %parallel_loop3A_557 = %broadcast_in_dim3A_228, %parallel_loop3A_558 = %broadcast_in_dim3A_228, %parallel_loop3A_559 = %broadcast_in_dim3A_228, %parallel_loop3A_560 = %broadcast_in_dim3A_228, %parallel_loop3A_561 = %broadcast_in_dim3A_228, %parallel_loop3A_562 = %broadcast_in_dim3A_228) -> (vector<16xi32>, vector<16xi32>, vector<16xi32>, vector<16xi32>, vector<16xi32>, vector<16xi32>, vector<16xi32>, vector<16xf32>, vector<16xf32>, vector<16xf32>, vector<16xf32>, vector<16xf32>, vector<16xf32>, vector<16xf32>, vector<16xf32>, vector<16xf32>, vector<16xf32>, vector<16xf32>, vector<16xf32>, vector<16xf32>, vector<16xf32>)  : i32 {
      %parallel_loop3A_563 = arith.constant 128 : i32
      %parallel_loop3A_564 = arith.addi %parallel_loop3A_563, %parallel_loop3A_541 : i32
      %parallel_loop3A_565 = tpu.vector_load_idx %arg4[%parallel_loop3A_542] : memref<16512xf32, #tpu.memory_space<vmem>>[vector<16xi32>], vector<16xf32>,
      %parallel_loop3A_566 = arith.subf %parallel_loop3A_565, %parallel_loop3A_549 : vector<16xf32>
      %parallel_loop3A_567 = arith.maximumf %parallel_loop3A_566, %parallel_loop3A_556 : vector<16xf32>
      %parallel_loop3A_568 = arith.index_cast %parallel_loop3A_564 : i32 to index
      %parallel_loop3A_569 = arith.constant 0 : index
      %parallel_loop3A_570 = tpu.vector_load %arg6[%parallel_loop3A_568, %parallel_loop3A_569] {strides = array<i32>} : memref<1152x16xf32, #tpu.memory_space<vmem>>, vector<16xf32>,
      tpu.vector_store %arg6[%parallel_loop3A_568, %parallel_loop3A_569], %parallel_loop3A_567 {strides = array<i32>} : memref<1152x16xf32, #tpu.memory_space<vmem>>, vector<16xf32>,
      %parallel_loop3A_571 = arith.addi %parallel_loop3A_542, %broadcast_in_dim3A_232 : vector<16xi32>
      %parallel_loop3A_572 = arith.addf %parallel_loop3A_549, %broadcast_in_dim3A_234 : vector<16xf32>
      %parallel_loop3A_573 = arith.constant 256 : i32
      %parallel_loop3A_574 = arith.addi %parallel_loop3A_573, %parallel_loop3A_541 : i32
      %parallel_loop3A_575 = tpu.vector_load_idx %arg4[%parallel_loop3A_543] : memref<16512xf32, #tpu.memory_space<vmem>>[vector<16xi32>], vector<16xf32>,
      %parallel_loop3A_576 = arith.subf %parallel_loop3A_575, %parallel_loop3A_550 : vector<16xf32>
      %parallel_loop3A_577 = arith.maximumf %parallel_loop3A_576, %parallel_loop3A_557 : vector<16xf32>
      %parallel_loop3A_578 = arith.index_cast %parallel_loop3A_574 : i32 to index
      %parallel_loop3A_579 = arith.constant 0 : index
      %parallel_loop3A_580 = tpu.vector_load %arg6[%parallel_loop3A_578, %parallel_loop3A_579] {strides = array<i32>} : memref<1152x16xf32, #tpu.memory_space<vmem>>, vector<16xf32>,
      tpu.vector_store %arg6[%parallel_loop3A_578, %parallel_loop3A_579], %parallel_loop3A_577 {strides = array<i32>} : memref<1152x16xf32, #tpu.memory_space<vmem>>, vector<16xf32>,
      %parallel_loop3A_581 = arith.addi %parallel_loop3A_543, %broadcast_in_dim3A_232 : vector<16xi32>
      %parallel_loop3A_582 = arith.addf %parallel_loop3A_550, %broadcast_in_dim3A_234 : vector<16xf32>
      %parallel_loop3A_583 = arith.constant 384 : i32
      %parallel_loop3A_584 = arith.addi %parallel_loop3A_583, %parallel_loop3A_541 : i32
      %parallel_loop3A_585 = tpu.vector_load_idx %arg4[%parallel_loop3A_544] : memref<16512xf32, #tpu.memory_space<vmem>>[vector<16xi32>], vector<16xf32>,
      %parallel_loop3A_586 = arith.subf %parallel_loop3A_585, %parallel_loop3A_551 : vector<16xf32>
      %parallel_loop3A_587 = arith.maximumf %parallel_loop3A_586, %parallel_loop3A_558 : vector<16xf32>
      %parallel_loop3A_588 = arith.index_cast %parallel_loop3A_584 : i32 to index
      %parallel_loop3A_589 = arith.constant 0 : index
      %parallel_loop3A_590 = tpu.vector_load %arg6[%parallel_loop3A_588, %parallel_loop3A_589] {strides = array<i32>} : memref<1152x16xf32, #tpu.memory_space<vmem>>, vector<16xf32>,
      tpu.vector_store %arg6[%parallel_loop3A_588, %parallel_loop3A_589], %parallel_loop3A_587 {strides = array<i32>} : memref<1152x16xf32, #tpu.memory_space<vmem>>, vector<16xf32>,
      %parallel_loop3A_591 = arith.addi %parallel_loop3A_544, %broadcast_in_dim3A_232 : vector<16xi32>
      %parallel_loop3A_592 = arith.addf %parallel_loop3A_551, %broadcast_in_dim3A_234 : vector<16xf32>
      %parallel_loop3A_593 = arith.constant 512 : i32
      %parallel_loop3A_594 = arith.addi %parallel_loop3A_593, %parallel_loop3A_541 : i32
      %parallel_loop3A_595 = tpu.vector_load_idx %arg4[%parallel_loop3A_545] : memref<16512xf32, #tpu.memory_space<vmem>>[vector<16xi32>], vector<16xf32>,
      %parallel_loop3A_596 = arith.subf %parallel_loop3A_595, %parallel_loop3A_552 : vector<16xf32>
      %parallel_loop3A_597 = arith.maximumf %parallel_loop3A_596, %parallel_loop3A_559 : vector<16xf32>
      %parallel_loop3A_598 = arith.index_cast %parallel_loop3A_594 : i32 to index
      %parallel_loop3A_599 = arith.constant 0 : index
      %parallel_loop3A_600 = tpu.vector_load %arg6[%parallel_loop3A_598, %parallel_loop3A_599] {strides = array<i32>} : memref<1152x16xf32, #tpu.memory_space<vmem>>, vector<16xf32>,
      tpu.vector_store %arg6[%parallel_loop3A_598, %parallel_loop3A_599], %parallel_loop3A_597 {strides = array<i32>} : memref<1152x16xf32, #tpu.memory_space<vmem>>, vector<16xf32>,
      %parallel_loop3A_601 = arith.addi %parallel_loop3A_545, %broadcast_in_dim3A_232 : vector<16xi32>
      %parallel_loop3A_602 = arith.addf %parallel_loop3A_552, %broadcast_in_dim3A_234 : vector<16xf32>
      %parallel_loop3A_603 = arith.constant 640 : i32
      %parallel_loop3A_604 = arith.addi %parallel_loop3A_603, %parallel_loop3A_541 : i32
      %parallel_loop3A_605 = tpu.vector_load_idx %arg4[%parallel_loop3A_546] : memref<16512xf32, #tpu.memory_space<vmem>>[vector<16xi32>], vector<16xf32>,
      %parallel_loop3A_606 = arith.subf %parallel_loop3A_605, %parallel_loop3A_553 : vector<16xf32>
      %parallel_loop3A_607 = arith.maximumf %parallel_loop3A_606, %parallel_loop3A_560 : vector<16xf32>
      %parallel_loop3A_608 = arith.index_cast %parallel_loop3A_604 : i32 to index
      %parallel_loop3A_609 = arith.constant 0 : index
      %parallel_loop3A_610 = tpu.vector_load %arg6[%parallel_loop3A_608, %parallel_loop3A_609] {strides = array<i32>} : memref<1152x16xf32, #tpu.memory_space<vmem>>, vector<16xf32>,
      tpu.vector_store %arg6[%parallel_loop3A_608, %parallel_loop3A_609], %parallel_loop3A_607 {strides = array<i32>} : memref<1152x16xf32, #tpu.memory_space<vmem>>, vector<16xf32>,
      %parallel_loop3A_611 = arith.addi %parallel_loop3A_546, %broadcast_in_dim3A_232 : vector<16xi32>
      %parallel_loop3A_612 = arith.addf %parallel_loop3A_553, %broadcast_in_dim3A_234 : vector<16xf32>
      %parallel_loop3A_613 = arith.constant 768 : i32
      %parallel_loop3A_614 = arith.addi %parallel_loop3A_613, %parallel_loop3A_541 : i32
      %parallel_loop3A_615 = tpu.vector_load_idx %arg4[%parallel_loop3A_547] : memref<16512xf32, #tpu.memory_space<vmem>>[vector<16xi32>], vector<16xf32>,
      %parallel_loop3A_616 = arith.subf %parallel_loop3A_615, %parallel_loop3A_554 : vector<16xf32>
      %parallel_loop3A_617 = arith.maximumf %parallel_loop3A_616, %parallel_loop3A_561 : vector<16xf32>
      %parallel_loop3A_618 = arith.index_cast %parallel_loop3A_614 : i32 to index
      %parallel_loop3A_619 = arith.constant 0 : index
      %parallel_loop3A_620 = tpu.vector_load %arg6[%parallel_loop3A_618, %parallel_loop3A_619] {strides = array<i32>} : memref<1152x16xf32, #tpu.memory_space<vmem>>, vector<16xf32>,
      tpu.vector_store %arg6[%parallel_loop3A_618, %parallel_loop3A_619], %parallel_loop3A_617 {strides = array<i32>} : memref<1152x16xf32, #tpu.memory_space<vmem>>, vector<16xf32>,
      %parallel_loop3A_621 = arith.addi %parallel_loop3A_547, %broadcast_in_dim3A_232 : vector<16xi32>
      %parallel_loop3A_622 = arith.addf %parallel_loop3A_554, %broadcast_in_dim3A_234 : vector<16xf32>
      %parallel_loop3A_623 = arith.constant 896 : i32
      %parallel_loop3A_624 = arith.addi %parallel_loop3A_623, %parallel_loop3A_541 : i32
      %parallel_loop3A_625 = tpu.vector_load_idx %arg4[%parallel_loop3A_548] : memref<16512xf32, #tpu.memory_space<vmem>>[vector<16xi32>], vector<16xf32>,
      %parallel_loop3A_626 = arith.subf %parallel_loop3A_625, %parallel_loop3A_555 : vector<16xf32>
      %parallel_loop3A_627 = arith.maximumf %parallel_loop3A_626, %parallel_loop3A_562 : vector<16xf32>
      %parallel_loop3A_628 = arith.index_cast %parallel_loop3A_624 : i32 to index
      %parallel_loop3A_629 = arith.constant 0 : index
      %parallel_loop3A_630 = tpu.vector_load %arg6[%parallel_loop3A_628, %parallel_loop3A_629] {strides = array<i32>} : memref<1152x16xf32, #tpu.memory_space<vmem>>, vector<16xf32>,
      tpu.vector_store %arg6[%parallel_loop3A_628, %parallel_loop3A_629], %parallel_loop3A_627 {strides = array<i32>} : memref<1152x16xf32, #tpu.memory_space<vmem>>, vector<16xf32>,
      %parallel_loop3A_631 = arith.addi %parallel_loop3A_548, %broadcast_in_dim3A_232 : vector<16xi32>
      %parallel_loop3A_632 = arith.addf %parallel_loop3A_555, %broadcast_in_dim3A_234 : vector<16xf32>
      scf.yield %parallel_loop3A_571, %parallel_loop3A_581, %parallel_loop3A_591, %parallel_loop3A_601, %parallel_loop3A_611, %parallel_loop3A_621, %parallel_loop3A_631, %parallel_loop3A_572, %parallel_loop3A_582, %parallel_loop3A_592, %parallel_loop3A_602, %parallel_loop3A_612, %parallel_loop3A_622, %parallel_loop3A_632, %parallel_loop3A_567, %parallel_loop3A_577, %parallel_loop3A_587, %parallel_loop3A_597, %parallel_loop3A_607, %parallel_loop3A_617, %parallel_loop3A_627 : vector<16xi32>, vector<16xi32>, vector<16xi32>, vector<16xi32>, vector<16xi32>, vector<16xi32>, vector<16xi32>, vector<16xf32>, vector<16xf32>, vector<16xf32>, vector<16xf32>, vector<16xf32>, vector<16xf32>, vector<16xf32>, vector<16xf32>, vector<16xf32>, vector<16xf32>, vector<16xf32>, vector<16xf32>, vector<16xf32>, vector<16xf32>
    } {sc.loop_unroll_factor = 4 : i64, sc.parallel_access}
    %add3A_273 = arith.constant 127 : i32
    %add3A_274 = vector.broadcast %add3A_273 : i32 to vector<16xi32>
    %add3A_275 = arith.addi %mul3A_227, %add3A_274 : vector<16xi32>
    %add3A_276 = arith.constant 255 : i32
    %add3A_277 = vector.broadcast %add3A_276 : i32 to vector<16xi32>
    %add3A_278 = arith.addi %mul3A_227, %add3A_277 : vector<16xi32>
    %add3A_279 = arith.constant 383 : i32
    %add3A_280 = vector.broadcast %add3A_279 : i32 to vector<16xi32>
    %add3A_281 = arith.addi %mul3A_227, %add3A_280 : vector<16xi32>
    %add3A_282 = arith.constant 511 : i32
    %add3A_283 = vector.broadcast %add3A_282 : i32 to vector<16xi32>
    %add3A_284 = arith.addi %mul3A_227, %add3A_283 : vector<16xi32>
    %add3A_285 = arith.constant 639 : i32
    %add3A_286 = vector.broadcast %add3A_285 : i32 to vector<16xi32>
    %add3A_287 = arith.addi %mul3A_227, %add3A_286 : vector<16xi32>
    %add3A_288 = arith.constant 767 : i32
    %add3A_289 = vector.broadcast %add3A_288 : i32 to vector<16xi32>
    %add3A_290 = arith.addi %mul3A_227, %add3A_289 : vector<16xi32>
    %add3A_291 = arith.constant 895 : i32
    %add3A_292 = vector.broadcast %add3A_291 : i32 to vector<16xi32>
    %add3A_293 = arith.addi %mul3A_227, %add3A_292 : vector<16xi32>
    %add3A_294 = arith.constant 1023 : i32
    %add3A_295 = vector.broadcast %add3A_294 : i32 to vector<16xi32>
    %add3A_296 = arith.addi %mul3A_227, %add3A_295 : vector<16xi32>
    %broadcast_in_dim3A_297 = arith.constant 1.270000e+02 : f32
    %broadcast_in_dim3A_298 = vector.broadcast %broadcast_in_dim3A_297 : f32 to vector<16xf32>
    %broadcast_in_dim3A_299 = arith.constant 2.550000e+02 : f32
    %broadcast_in_dim3A_300 = vector.broadcast %broadcast_in_dim3A_299 : f32 to vector<16xf32>
    %broadcast_in_dim3A_301 = arith.constant 3.830000e+02 : f32
    %broadcast_in_dim3A_302 = vector.broadcast %broadcast_in_dim3A_301 : f32 to vector<16xf32>
    %broadcast_in_dim3A_303 = arith.constant 5.110000e+02 : f32
    %broadcast_in_dim3A_304 = vector.broadcast %broadcast_in_dim3A_303 : f32 to vector<16xf32>
    %broadcast_in_dim3A_305 = arith.constant 6.390000e+02 : f32
    %broadcast_in_dim3A_306 = vector.broadcast %broadcast_in_dim3A_305 : f32 to vector<16xf32>
    %broadcast_in_dim3A_307 = arith.constant 7.670000e+02 : f32
    %broadcast_in_dim3A_308 = vector.broadcast %broadcast_in_dim3A_307 : f32 to vector<16xf32>
    %broadcast_in_dim3A_309 = arith.constant 8.950000e+02 : f32
    %broadcast_in_dim3A_310 = vector.broadcast %broadcast_in_dim3A_309 : f32 to vector<16xf32>
    %broadcast_in_dim3A_311 = arith.constant 1.023000e+03 : f32
    %broadcast_in_dim3A_312 = vector.broadcast %broadcast_in_dim3A_311 : f32 to vector<16xf32>
    %parallel_loop3A_313 = arith.constant 0 : i32
    %parallel_loop3A_314 = arith.constant 128 : i32
    %parallel_loop3A_315 = arith.constant 1 : i32
    %parallel_loop3A_316:24 = scf.for %parallel_loop3A_541 = %parallel_loop3A_313 to %parallel_loop3A_314 step %parallel_loop3A_315 iter_args(%parallel_loop3A_542 = %add3A_275, %parallel_loop3A_543 = %add3A_278, %parallel_loop3A_544 = %add3A_281, %parallel_loop3A_545 = %add3A_284, %parallel_loop3A_546 = %add3A_287, %parallel_loop3A_547 = %add3A_290, %parallel_loop3A_548 = %add3A_293, %parallel_loop3A_549 = %add3A_296, %parallel_loop3A_550 = %broadcast_in_dim3A_298, %parallel_loop3A_551 = %broadcast_in_dim3A_300, %parallel_loop3A_552 = %broadcast_in_dim3A_302, %parallel_loop3A_553 = %broadcast_in_dim3A_304, %parallel_loop3A_554 = %broadcast_in_dim3A_306, %parallel_loop3A_555 = %broadcast_in_dim3A_308, %parallel_loop3A_556 = %broadcast_in_dim3A_310, %parallel_loop3A_557 = %broadcast_in_dim3A_312, %parallel_loop3A_558 = %broadcast_in_dim3A_228, %parallel_loop3A_559 = %broadcast_in_dim3A_228, %parallel_loop3A_560 = %broadcast_in_dim3A_228, %parallel_loop3A_561 = %broadcast_in_dim3A_228, %parallel_loop3A_562 = %broadcast_in_dim3A_228, %parallel_loop3A_563 = %broadcast_in_dim3A_228, %parallel_loop3A_564 = %broadcast_in_dim3A_228, %parallel_loop3A_565 = %broadcast_in_dim3A_228) -> (vector<16xi32>, vector<16xi32>, vector<16xi32>, vector<16xi32>, vector<16xi32>, vector<16xi32>, vector<16xi32>, vector<16xi32>, vector<16xf32>, vector<16xf32>, vector<16xf32>, vector<16xf32>, vector<16xf32>, vector<16xf32>, vector<16xf32>, vector<16xf32>, vector<16xf32>, vector<16xf32>, vector<16xf32>, vector<16xf32>, vector<16xf32>, vector<16xf32>, vector<16xf32>, vector<16xf32>)  : i32 {
      %parallel_loop3A_566 = arith.constant 127 : i32
      %parallel_loop3A_567 = arith.subi %parallel_loop3A_566, %parallel_loop3A_541 : i32
      %parallel_loop3A_568 = arith.constant 0 : i32
      %parallel_loop3A_569 = arith.addi %parallel_loop3A_568, %parallel_loop3A_567 : i32
      %parallel_loop3A_570 = tpu.vector_load_idx %arg4[%parallel_loop3A_542] : memref<16512xf32, #tpu.memory_space<vmem>>[vector<16xi32>], vector<16xf32>,
      %parallel_loop3A_571 = arith.subf %parallel_loop3A_570, %parallel_loop3A_550 : vector<16xf32>
      %parallel_loop3A_572 = arith.constant 128 : i32
      %parallel_loop3A_573 = arith.addi %parallel_loop3A_569, %parallel_loop3A_572 : i32
      %parallel_loop3A_574 = arith.index_cast %parallel_loop3A_573 : i32 to index
      %parallel_loop3A_575 = arith.constant 0 : index
      %parallel_loop3A_576 = tpu.vector_load %arg6[%parallel_loop3A_574, %parallel_loop3A_575] {strides = array<i32>} : memref<1152x16xf32, #tpu.memory_space<vmem>>, vector<16xf32>,
      %parallel_loop3A_577 = arith.maximumf %parallel_loop3A_558, %parallel_loop3A_576 : vector<16xf32>
      %parallel_loop3A_578 = arith.subf %parallel_loop3A_577, %parallel_loop3A_571 : vector<16xf32>
      %parallel_loop3A_579 = arith.constant 0.000000e+00 : f32
      %parallel_loop3A_580 = vector.broadcast %parallel_loop3A_579 : f32 to vector<16xf32>
      %parallel_loop3A_581 = arith.maximumf %parallel_loop3A_578, %parallel_loop3A_580 : vector<16xf32>
      tpu.vector_store_idx %arg5[%parallel_loop3A_542], %parallel_loop3A_581 : memref<16512xf32, #tpu.memory_space<vmem>>[vector<16xi32>], vector<16xf32>,
      %parallel_loop3A_582 = arith.subi %parallel_loop3A_542, %broadcast_in_dim3A_232 : vector<16xi32>
      %parallel_loop3A_583 = arith.subf %parallel_loop3A_550, %broadcast_in_dim3A_234 : vector<16xf32>
      %parallel_loop3A_584 = arith.maximumf %parallel_loop3A_558, %parallel_loop3A_571 : vector<16xf32>
      %parallel_loop3A_585 = arith.constant 128 : i32
      %parallel_loop3A_586 = arith.addi %parallel_loop3A_585, %parallel_loop3A_567 : i32
      %parallel_loop3A_587 = tpu.vector_load_idx %arg4[%parallel_loop3A_543] : memref<16512xf32, #tpu.memory_space<vmem>>[vector<16xi32>], vector<16xf32>,
      %parallel_loop3A_588 = arith.subf %parallel_loop3A_587, %parallel_loop3A_551 : vector<16xf32>
      %parallel_loop3A_589 = arith.constant 128 : i32
      %parallel_loop3A_590 = arith.addi %parallel_loop3A_586, %parallel_loop3A_589 : i32
      %parallel_loop3A_591 = arith.index_cast %parallel_loop3A_590 : i32 to index
      %parallel_loop3A_592 = arith.constant 0 : index
      %parallel_loop3A_593 = tpu.vector_load %arg6[%parallel_loop3A_591, %parallel_loop3A_592] {strides = array<i32>} : memref<1152x16xf32, #tpu.memory_space<vmem>>, vector<16xf32>,
      %parallel_loop3A_594 = arith.maximumf %parallel_loop3A_559, %parallel_loop3A_593 : vector<16xf32>
      %parallel_loop3A_595 = arith.subf %parallel_loop3A_594, %parallel_loop3A_588 : vector<16xf32>
      %parallel_loop3A_596 = arith.constant 0.000000e+00 : f32
      %parallel_loop3A_597 = vector.broadcast %parallel_loop3A_596 : f32 to vector<16xf32>
      %parallel_loop3A_598 = arith.maximumf %parallel_loop3A_595, %parallel_loop3A_597 : vector<16xf32>
      tpu.vector_store_idx %arg5[%parallel_loop3A_543], %parallel_loop3A_598 : memref<16512xf32, #tpu.memory_space<vmem>>[vector<16xi32>], vector<16xf32>,
      %parallel_loop3A_599 = arith.subi %parallel_loop3A_543, %broadcast_in_dim3A_232 : vector<16xi32>
      %parallel_loop3A_600 = arith.subf %parallel_loop3A_551, %broadcast_in_dim3A_234 : vector<16xf32>
      %parallel_loop3A_601 = arith.maximumf %parallel_loop3A_559, %parallel_loop3A_588 : vector<16xf32>
      %parallel_loop3A_602 = arith.constant 256 : i32
      %parallel_loop3A_603 = arith.addi %parallel_loop3A_602, %parallel_loop3A_567 : i32
      %parallel_loop3A_604 = tpu.vector_load_idx %arg4[%parallel_loop3A_544] : memref<16512xf32, #tpu.memory_space<vmem>>[vector<16xi32>], vector<16xf32>,
      %parallel_loop3A_605 = arith.subf %parallel_loop3A_604, %parallel_loop3A_552 : vector<16xf32>
      %parallel_loop3A_606 = arith.constant 128 : i32
      %parallel_loop3A_607 = arith.addi %parallel_loop3A_603, %parallel_loop3A_606 : i32
      %parallel_loop3A_608 = arith.index_cast %parallel_loop3A_607 : i32 to index
      %parallel_loop3A_609 = arith.constant 0 : index
      %parallel_loop3A_610 = tpu.vector_load %arg6[%parallel_loop3A_608, %parallel_loop3A_609] {strides = array<i32>} : memref<1152x16xf32, #tpu.memory_space<vmem>>, vector<16xf32>,
      %parallel_loop3A_611 = arith.maximumf %parallel_loop3A_560, %parallel_loop3A_610 : vector<16xf32>
      %parallel_loop3A_612 = arith.subf %parallel_loop3A_611, %parallel_loop3A_605 : vector<16xf32>
      %parallel_loop3A_613 = arith.constant 0.000000e+00 : f32
      %parallel_loop3A_614 = vector.broadcast %parallel_loop3A_613 : f32 to vector<16xf32>
      %parallel_loop3A_615 = arith.maximumf %parallel_loop3A_612, %parallel_loop3A_614 : vector<16xf32>
      tpu.vector_store_idx %arg5[%parallel_loop3A_544], %parallel_loop3A_615 : memref<16512xf32, #tpu.memory_space<vmem>>[vector<16xi32>], vector<16xf32>,
      %parallel_loop3A_616 = arith.subi %parallel_loop3A_544, %broadcast_in_dim3A_232 : vector<16xi32>
      %parallel_loop3A_617 = arith.subf %parallel_loop3A_552, %broadcast_in_dim3A_234 : vector<16xf32>
      %parallel_loop3A_618 = arith.maximumf %parallel_loop3A_560, %parallel_loop3A_605 : vector<16xf32>
      %parallel_loop3A_619 = arith.constant 384 : i32
      %parallel_loop3A_620 = arith.addi %parallel_loop3A_619, %parallel_loop3A_567 : i32
      %parallel_loop3A_621 = tpu.vector_load_idx %arg4[%parallel_loop3A_545] : memref<16512xf32, #tpu.memory_space<vmem>>[vector<16xi32>], vector<16xf32>,
      %parallel_loop3A_622 = arith.subf %parallel_loop3A_621, %parallel_loop3A_553 : vector<16xf32>
      %parallel_loop3A_623 = arith.constant 128 : i32
      %parallel_loop3A_624 = arith.addi %parallel_loop3A_620, %parallel_loop3A_623 : i32
      %parallel_loop3A_625 = arith.index_cast %parallel_loop3A_624 : i32 to index
      %parallel_loop3A_626 = arith.constant 0 : index
      %parallel_loop3A_627 = tpu.vector_load %arg6[%parallel_loop3A_625, %parallel_loop3A_626] {strides = array<i32>} : memref<1152x16xf32, #tpu.memory_space<vmem>>, vector<16xf32>,
      %parallel_loop3A_628 = arith.maximumf %parallel_loop3A_561, %parallel_loop3A_627 : vector<16xf32>
      %parallel_loop3A_629 = arith.subf %parallel_loop3A_628, %parallel_loop3A_622 : vector<16xf32>
      %parallel_loop3A_630 = arith.constant 0.000000e+00 : f32
      %parallel_loop3A_631 = vector.broadcast %parallel_loop3A_630 : f32 to vector<16xf32>
      %parallel_loop3A_632 = arith.maximumf %parallel_loop3A_629, %parallel_loop3A_631 : vector<16xf32>
      tpu.vector_store_idx %arg5[%parallel_loop3A_545], %parallel_loop3A_632 : memref<16512xf32, #tpu.memory_space<vmem>>[vector<16xi32>], vector<16xf32>,
      %parallel_loop3A_633 = arith.subi %parallel_loop3A_545, %broadcast_in_dim3A_232 : vector<16xi32>
      %parallel_loop3A_634 = arith.subf %parallel_loop3A_553, %broadcast_in_dim3A_234 : vector<16xf32>
      %parallel_loop3A_635 = arith.maximumf %parallel_loop3A_561, %parallel_loop3A_622 : vector<16xf32>
      %parallel_loop3A_636 = arith.constant 512 : i32
      %parallel_loop3A_637 = arith.addi %parallel_loop3A_636, %parallel_loop3A_567 : i32
      %parallel_loop3A_638 = tpu.vector_load_idx %arg4[%parallel_loop3A_546] : memref<16512xf32, #tpu.memory_space<vmem>>[vector<16xi32>], vector<16xf32>,
      %parallel_loop3A_639 = arith.subf %parallel_loop3A_638, %parallel_loop3A_554 : vector<16xf32>
      %parallel_loop3A_640 = arith.constant 128 : i32
      %parallel_loop3A_641 = arith.addi %parallel_loop3A_637, %parallel_loop3A_640 : i32
      %parallel_loop3A_642 = arith.index_cast %parallel_loop3A_641 : i32 to index
      %parallel_loop3A_643 = arith.constant 0 : index
      %parallel_loop3A_644 = tpu.vector_load %arg6[%parallel_loop3A_642, %parallel_loop3A_643] {strides = array<i32>} : memref<1152x16xf32, #tpu.memory_space<vmem>>, vector<16xf32>,
      %parallel_loop3A_645 = arith.maximumf %parallel_loop3A_562, %parallel_loop3A_644 : vector<16xf32>
      %parallel_loop3A_646 = arith.subf %parallel_loop3A_645, %parallel_loop3A_639 : vector<16xf32>
      %parallel_loop3A_647 = arith.constant 0.000000e+00 : f32
      %parallel_loop3A_648 = vector.broadcast %parallel_loop3A_647 : f32 to vector<16xf32>
      %parallel_loop3A_649 = arith.maximumf %parallel_loop3A_646, %parallel_loop3A_648 : vector<16xf32>
      tpu.vector_store_idx %arg5[%parallel_loop3A_546], %parallel_loop3A_649 : memref<16512xf32, #tpu.memory_space<vmem>>[vector<16xi32>], vector<16xf32>,
      %parallel_loop3A_650 = arith.subi %parallel_loop3A_546, %broadcast_in_dim3A_232 : vector<16xi32>
      %parallel_loop3A_651 = arith.subf %parallel_loop3A_554, %broadcast_in_dim3A_234 : vector<16xf32>
      %parallel_loop3A_652 = arith.maximumf %parallel_loop3A_562, %parallel_loop3A_639 : vector<16xf32>
      %parallel_loop3A_653 = arith.constant 640 : i32
      %parallel_loop3A_654 = arith.addi %parallel_loop3A_653, %parallel_loop3A_567 : i32
      %parallel_loop3A_655 = tpu.vector_load_idx %arg4[%parallel_loop3A_547] : memref<16512xf32, #tpu.memory_space<vmem>>[vector<16xi32>], vector<16xf32>,
      %parallel_loop3A_656 = arith.subf %parallel_loop3A_655, %parallel_loop3A_555 : vector<16xf32>
      %parallel_loop3A_657 = arith.constant 128 : i32
      %parallel_loop3A_658 = arith.addi %parallel_loop3A_654, %parallel_loop3A_657 : i32
      %parallel_loop3A_659 = arith.index_cast %parallel_loop3A_658 : i32 to index
      %parallel_loop3A_660 = arith.constant 0 : index
      %parallel_loop3A_661 = tpu.vector_load %arg6[%parallel_loop3A_659, %parallel_loop3A_660] {strides = array<i32>} : memref<1152x16xf32, #tpu.memory_space<vmem>>, vector<16xf32>,
      %parallel_loop3A_662 = arith.maximumf %parallel_loop3A_563, %parallel_loop3A_661 : vector<16xf32>
      %parallel_loop3A_663 = arith.subf %parallel_loop3A_662, %parallel_loop3A_656 : vector<16xf32>
      %parallel_loop3A_664 = arith.constant 0.000000e+00 : f32
      %parallel_loop3A_665 = vector.broadcast %parallel_loop3A_664 : f32 to vector<16xf32>
      %parallel_loop3A_666 = arith.maximumf %parallel_loop3A_663, %parallel_loop3A_665 : vector<16xf32>
      tpu.vector_store_idx %arg5[%parallel_loop3A_547], %parallel_loop3A_666 : memref<16512xf32, #tpu.memory_space<vmem>>[vector<16xi32>], vector<16xf32>,
      %parallel_loop3A_667 = arith.subi %parallel_loop3A_547, %broadcast_in_dim3A_232 : vector<16xi32>
      %parallel_loop3A_668 = arith.subf %parallel_loop3A_555, %broadcast_in_dim3A_234 : vector<16xf32>
      %parallel_loop3A_669 = arith.maximumf %parallel_loop3A_563, %parallel_loop3A_656 : vector<16xf32>
      %parallel_loop3A_670 = arith.constant 768 : i32
      %parallel_loop3A_671 = arith.addi %parallel_loop3A_670, %parallel_loop3A_567 : i32
      %parallel_loop3A_672 = tpu.vector_load_idx %arg4[%parallel_loop3A_548] : memref<16512xf32, #tpu.memory_space<vmem>>[vector<16xi32>], vector<16xf32>,
      %parallel_loop3A_673 = arith.subf %parallel_loop3A_672, %parallel_loop3A_556 : vector<16xf32>
      %parallel_loop3A_674 = arith.constant 128 : i32
      %parallel_loop3A_675 = arith.addi %parallel_loop3A_671, %parallel_loop3A_674 : i32
      %parallel_loop3A_676 = arith.index_cast %parallel_loop3A_675 : i32 to index
      %parallel_loop3A_677 = arith.constant 0 : index
      %parallel_loop3A_678 = tpu.vector_load %arg6[%parallel_loop3A_676, %parallel_loop3A_677] {strides = array<i32>} : memref<1152x16xf32, #tpu.memory_space<vmem>>, vector<16xf32>,
      %parallel_loop3A_679 = arith.maximumf %parallel_loop3A_564, %parallel_loop3A_678 : vector<16xf32>
      %parallel_loop3A_680 = arith.subf %parallel_loop3A_679, %parallel_loop3A_673 : vector<16xf32>
      %parallel_loop3A_681 = arith.constant 0.000000e+00 : f32
      %parallel_loop3A_682 = vector.broadcast %parallel_loop3A_681 : f32 to vector<16xf32>
      %parallel_loop3A_683 = arith.maximumf %parallel_loop3A_680, %parallel_loop3A_682 : vector<16xf32>
      tpu.vector_store_idx %arg5[%parallel_loop3A_548], %parallel_loop3A_683 : memref<16512xf32, #tpu.memory_space<vmem>>[vector<16xi32>], vector<16xf32>,
      %parallel_loop3A_684 = arith.subi %parallel_loop3A_548, %broadcast_in_dim3A_232 : vector<16xi32>
      %parallel_loop3A_685 = arith.subf %parallel_loop3A_556, %broadcast_in_dim3A_234 : vector<16xf32>
      %parallel_loop3A_686 = arith.maximumf %parallel_loop3A_564, %parallel_loop3A_673 : vector<16xf32>
      %parallel_loop3A_687 = arith.constant 896 : i32
      %parallel_loop3A_688 = arith.addi %parallel_loop3A_687, %parallel_loop3A_567 : i32
      %parallel_loop3A_689 = tpu.vector_load_idx %arg4[%parallel_loop3A_549] : memref<16512xf32, #tpu.memory_space<vmem>>[vector<16xi32>], vector<16xf32>,
      %parallel_loop3A_690 = arith.subf %parallel_loop3A_689, %parallel_loop3A_557 : vector<16xf32>
      %parallel_loop3A_691 = arith.maximumf %parallel_loop3A_565, %broadcast_in_dim3A_230 : vector<16xf32>
      %parallel_loop3A_692 = arith.subf %parallel_loop3A_691, %parallel_loop3A_690 : vector<16xf32>
      %parallel_loop3A_693 = arith.constant 0.000000e+00 : f32
      %parallel_loop3A_694 = vector.broadcast %parallel_loop3A_693 : f32 to vector<16xf32>
      %parallel_loop3A_695 = arith.maximumf %parallel_loop3A_692, %parallel_loop3A_694 : vector<16xf32>
      tpu.vector_store_idx %arg5[%parallel_loop3A_549], %parallel_loop3A_695 : memref<16512xf32, #tpu.memory_space<vmem>>[vector<16xi32>], vector<16xf32>,
      %parallel_loop3A_696 = arith.subi %parallel_loop3A_549, %broadcast_in_dim3A_232 : vector<16xi32>
      %parallel_loop3A_697 = arith.subf %parallel_loop3A_557, %broadcast_in_dim3A_234 : vector<16xf32>
      %parallel_loop3A_698 = arith.maximumf %parallel_loop3A_565, %parallel_loop3A_690 : vector<16xf32>
      scf.yield %parallel_loop3A_582, %parallel_loop3A_599, %parallel_loop3A_616, %parallel_loop3A_633, %parallel_loop3A_650, %parallel_loop3A_667, %parallel_loop3A_684, %parallel_loop3A_696, %parallel_loop3A_583, %parallel_loop3A_600, %parallel_loop3A_617, %parallel_loop3A_634, %parallel_loop3A_651, %parallel_loop3A_668, %parallel_loop3A_685, %parallel_loop3A_697, %parallel_loop3A_584, %parallel_loop3A_601, %parallel_loop3A_618, %parallel_loop3A_635, %parallel_loop3A_652, %parallel_loop3A_669, %parallel_loop3A_686, %parallel_loop3A_698 : vector<16xi32>, vector<16xi32>, vector<16xi32>, vector<16xi32>, vector<16xi32>, vector<16xi32>, vector<16xi32>, vector<16xi32>, vector<16xf32>, vector<16xf32>, vector<16xf32>, vector<16xf32>, vector<16xf32>, vector<16xf32>, vector<16xf32>, vector<16xf32>, vector<16xf32>, vector<16xf32>, vector<16xf32>, vector<16xf32>, vector<16xf32>, vector<16xf32>, vector<16xf32>, vector<16xf32>
    } {sc.loop_unroll_factor = 4 : i64, sc.parallel_access}
    %add3A_317 = arith.constant 0 : i32
    %add3A_318 = arith.addi %mul3A_2, %add3A_317 : i32
    %dma_start3A_319 = arith.constant 0 : i32
    %dma_start3A_320 = tpu.memref_slice %arg5[%dma_start3A_319] : memref<16512xf32, #tpu.memory_space<vmem>> -> memref<1024xf32, #tpu.memory_space<vmem>>
    %dma_start3A_321 = tpu.memref_slice %arg3[%add3A_318] : memref<524288xf32, #tpu.memory_space<hbm>> -> memref<1024xf32, #tpu.memory_space<hbm>>
    %dma_start3A_322 = tpu.memref_slice %arg3[%add3A_318] : memref<524288xf32, #tpu.memory_space<hbm>> -> memref<1024xf32, #tpu.memory_space<hbm>>
    %dma_start3A_323 = arith.constant 0 : i32
    %dma_start3A_324 = tpu.memref_slice %arg5[%dma_start3A_323] : memref<16512xf32, #tpu.memory_space<vmem>> -> memref<1024xf32, #tpu.memory_space<vmem>>
    tpu.enqueue_dma source(%dma_start3A_324 : memref<1024xf32, #tpu.memory_space<vmem>>) target(%dma_start3A_322 : memref<1024xf32, #tpu.memory_space<hbm>>) target_semaphore(%arg7 : memref<!tpu.dma_semaphore, #tpu.memory_space<semaphore_mem>>)
    %add3A_325 = arith.constant 1024 : i32
    %add3A_326 = arith.addi %mul3A_2, %add3A_325 : i32
    %dma_start3A_327 = arith.constant 1032 : i32
    %dma_start3A_328 = tpu.memref_slice %arg5[%dma_start3A_327] : memref<16512xf32, #tpu.memory_space<vmem>> -> memref<1024xf32, #tpu.memory_space<vmem>>
    %dma_start3A_329 = tpu.memref_slice %arg3[%add3A_326] : memref<524288xf32, #tpu.memory_space<hbm>> -> memref<1024xf32, #tpu.memory_space<hbm>>
    %dma_start3A_330 = tpu.memref_slice %arg3[%add3A_326] : memref<524288xf32, #tpu.memory_space<hbm>> -> memref<1024xf32, #tpu.memory_space<hbm>>
    %dma_start3A_331 = arith.constant 1032 : i32
    %dma_start3A_332 = tpu.memref_slice %arg5[%dma_start3A_331] : memref<16512xf32, #tpu.memory_space<vmem>> -> memref<1024xf32, #tpu.memory_space<vmem>>
    tpu.enqueue_dma source(%dma_start3A_332 : memref<1024xf32, #tpu.memory_space<vmem>>) target(%dma_start3A_330 : memref<1024xf32, #tpu.memory_space<hbm>>) target_semaphore(%arg7 : memref<!tpu.dma_semaphore, #tpu.memory_space<semaphore_mem>>)
    %add3A_333 = arith.constant 2048 : i32
    %add3A_334 = arith.addi %mul3A_2, %add3A_333 : i32
    %dma_start3A_335 = arith.constant 2064 : i32
    %dma_start3A_336 = tpu.memref_slice %arg5[%dma_start3A_335] : memref<16512xf32, #tpu.memory_space<vmem>> -> memref<1024xf32, #tpu.memory_space<vmem>>
    %dma_start3A_337 = tpu.memref_slice %arg3[%add3A_334] : memref<524288xf32, #tpu.memory_space<hbm>> -> memref<1024xf32, #tpu.memory_space<hbm>>
    %dma_start3A_338 = tpu.memref_slice %arg3[%add3A_334] : memref<524288xf32, #tpu.memory_space<hbm>> -> memref<1024xf32, #tpu.memory_space<hbm>>
    %dma_start3A_339 = arith.constant 2064 : i32
    %dma_start3A_340 = tpu.memref_slice %arg5[%dma_start3A_339] : memref<16512xf32, #tpu.memory_space<vmem>> -> memref<1024xf32, #tpu.memory_space<vmem>>
    tpu.enqueue_dma source(%dma_start3A_340 : memref<1024xf32, #tpu.memory_space<vmem>>) target(%dma_start3A_338 : memref<1024xf32, #tpu.memory_space<hbm>>) target_semaphore(%arg7 : memref<!tpu.dma_semaphore, #tpu.memory_space<semaphore_mem>>)
    %add3A_341 = arith.constant 3072 : i32
    %add3A_342 = arith.addi %mul3A_2, %add3A_341 : i32
    %dma_start3A_343 = arith.constant 3096 : i32
    %dma_start3A_344 = tpu.memref_slice %arg5[%dma_start3A_343] : memref<16512xf32, #tpu.memory_space<vmem>> -> memref<1024xf32, #tpu.memory_space<vmem>>
    %dma_start3A_345 = tpu.memref_slice %arg3[%add3A_342] : memref<524288xf32, #tpu.memory_space<hbm>> -> memref<1024xf32, #tpu.memory_space<hbm>>
    %dma_start3A_346 = tpu.memref_slice %arg3[%add3A_342] : memref<524288xf32, #tpu.memory_space<hbm>> -> memref<1024xf32, #tpu.memory_space<hbm>>
    %dma_start3A_347 = arith.constant 3096 : i32
    %dma_start3A_348 = tpu.memref_slice %arg5[%dma_start3A_347] : memref<16512xf32, #tpu.memory_space<vmem>> -> memref<1024xf32, #tpu.memory_space<vmem>>
    tpu.enqueue_dma source(%dma_start3A_348 : memref<1024xf32, #tpu.memory_space<vmem>>) target(%dma_start3A_346 : memref<1024xf32, #tpu.memory_space<hbm>>) target_semaphore(%arg7 : memref<!tpu.dma_semaphore, #tpu.memory_space<semaphore_mem>>)
    %add3A_349 = arith.constant 4096 : i32
    %add3A_350 = arith.addi %mul3A_2, %add3A_349 : i32
    %dma_start3A_351 = arith.constant 4128 : i32
    %dma_start3A_352 = tpu.memref_slice %arg5[%dma_start3A_351] : memref<16512xf32, #tpu.memory_space<vmem>> -> memref<1024xf32, #tpu.memory_space<vmem>>
    %dma_start3A_353 = tpu.memref_slice %arg3[%add3A_350] : memref<524288xf32, #tpu.memory_space<hbm>> -> memref<1024xf32, #tpu.memory_space<hbm>>
    %dma_start3A_354 = tpu.memref_slice %arg3[%add3A_350] : memref<524288xf32, #tpu.memory_space<hbm>> -> memref<1024xf32, #tpu.memory_space<hbm>>
    %dma_start3A_355 = arith.constant 4128 : i32
    %dma_start3A_356 = tpu.memref_slice %arg5[%dma_start3A_355] : memref<16512xf32, #tpu.memory_space<vmem>> -> memref<1024xf32, #tpu.memory_space<vmem>>
    tpu.enqueue_dma source(%dma_start3A_356 : memref<1024xf32, #tpu.memory_space<vmem>>) target(%dma_start3A_354 : memref<1024xf32, #tpu.memory_space<hbm>>) target_semaphore(%arg7 : memref<!tpu.dma_semaphore, #tpu.memory_space<semaphore_mem>>)
    %add3A_357 = arith.constant 5120 : i32
    %add3A_358 = arith.addi %mul3A_2, %add3A_357 : i32
    %dma_start3A_359 = arith.constant 5160 : i32
    %dma_start3A_360 = tpu.memref_slice %arg5[%dma_start3A_359] : memref<16512xf32, #tpu.memory_space<vmem>> -> memref<1024xf32, #tpu.memory_space<vmem>>
    %dma_start3A_361 = tpu.memref_slice %arg3[%add3A_358] : memref<524288xf32, #tpu.memory_space<hbm>> -> memref<1024xf32, #tpu.memory_space<hbm>>
    %dma_start3A_362 = tpu.memref_slice %arg3[%add3A_358] : memref<524288xf32, #tpu.memory_space<hbm>> -> memref<1024xf32, #tpu.memory_space<hbm>>
    %dma_start3A_363 = arith.constant 5160 : i32
    %dma_start3A_364 = tpu.memref_slice %arg5[%dma_start3A_363] : memref<16512xf32, #tpu.memory_space<vmem>> -> memref<1024xf32, #tpu.memory_space<vmem>>
    tpu.enqueue_dma source(%dma_start3A_364 : memref<1024xf32, #tpu.memory_space<vmem>>) target(%dma_start3A_362 : memref<1024xf32, #tpu.memory_space<hbm>>) target_semaphore(%arg7 : memref<!tpu.dma_semaphore, #tpu.memory_space<semaphore_mem>>)
    %add3A_365 = arith.constant 6144 : i32
    %add3A_366 = arith.addi %mul3A_2, %add3A_365 : i32
    %dma_start3A_367 = arith.constant 6192 : i32
    %dma_start3A_368 = tpu.memref_slice %arg5[%dma_start3A_367] : memref<16512xf32, #tpu.memory_space<vmem>> -> memref<1024xf32, #tpu.memory_space<vmem>>
    %dma_start3A_369 = tpu.memref_slice %arg3[%add3A_366] : memref<524288xf32, #tpu.memory_space<hbm>> -> memref<1024xf32, #tpu.memory_space<hbm>>
    %dma_start3A_370 = tpu.memref_slice %arg3[%add3A_366] : memref<524288xf32, #tpu.memory_space<hbm>> -> memref<1024xf32, #tpu.memory_space<hbm>>
    %dma_start3A_371 = arith.constant 6192 : i32
    %dma_start3A_372 = tpu.memref_slice %arg5[%dma_start3A_371] : memref<16512xf32, #tpu.memory_space<vmem>> -> memref<1024xf32, #tpu.memory_space<vmem>>
    tpu.enqueue_dma source(%dma_start3A_372 : memref<1024xf32, #tpu.memory_space<vmem>>) target(%dma_start3A_370 : memref<1024xf32, #tpu.memory_space<hbm>>) target_semaphore(%arg7 : memref<!tpu.dma_semaphore, #tpu.memory_space<semaphore_mem>>)
    %add3A_373 = arith.constant 7168 : i32
    %add3A_374 = arith.addi %mul3A_2, %add3A_373 : i32
    %dma_start3A_375 = arith.constant 7224 : i32
    %dma_start3A_376 = tpu.memref_slice %arg5[%dma_start3A_375] : memref<16512xf32, #tpu.memory_space<vmem>> -> memref<1024xf32, #tpu.memory_space<vmem>>
    %dma_start3A_377 = tpu.memref_slice %arg3[%add3A_374] : memref<524288xf32, #tpu.memory_space<hbm>> -> memref<1024xf32, #tpu.memory_space<hbm>>
    %dma_start3A_378 = tpu.memref_slice %arg3[%add3A_374] : memref<524288xf32, #tpu.memory_space<hbm>> -> memref<1024xf32, #tpu.memory_space<hbm>>
    %dma_start3A_379 = arith.constant 7224 : i32
    %dma_start3A_380 = tpu.memref_slice %arg5[%dma_start3A_379] : memref<16512xf32, #tpu.memory_space<vmem>> -> memref<1024xf32, #tpu.memory_space<vmem>>
    tpu.enqueue_dma source(%dma_start3A_380 : memref<1024xf32, #tpu.memory_space<vmem>>) target(%dma_start3A_378 : memref<1024xf32, #tpu.memory_space<hbm>>) target_semaphore(%arg7 : memref<!tpu.dma_semaphore, #tpu.memory_space<semaphore_mem>>)
    %add3A_381 = arith.constant 8192 : i32
    %add3A_382 = arith.addi %mul3A_2, %add3A_381 : i32
    %dma_start3A_383 = arith.constant 8256 : i32
    %dma_start3A_384 = tpu.memref_slice %arg5[%dma_start3A_383] : memref<16512xf32, #tpu.memory_space<vmem>> -> memref<1024xf32, #tpu.memory_space<vmem>>
    %dma_start3A_385 = tpu.memref_slice %arg3[%add3A_382] : memref<524288xf32, #tpu.memory_space<hbm>> -> memref<1024xf32, #tpu.memory_space<hbm>>
    %dma_start3A_386 = tpu.memref_slice %arg3[%add3A_382] : memref<524288xf32, #tpu.memory_space<hbm>> -> memref<1024xf32, #tpu.memory_space<hbm>>
    %dma_start3A_387 = arith.constant 8256 : i32
    %dma_start3A_388 = tpu.memref_slice %arg5[%dma_start3A_387] : memref<16512xf32, #tpu.memory_space<vmem>> -> memref<1024xf32, #tpu.memory_space<vmem>>
    tpu.enqueue_dma source(%dma_start3A_388 : memref<1024xf32, #tpu.memory_space<vmem>>) target(%dma_start3A_386 : memref<1024xf32, #tpu.memory_space<hbm>>) target_semaphore(%arg7 : memref<!tpu.dma_semaphore, #tpu.memory_space<semaphore_mem>>)
    %add3A_389 = arith.constant 9216 : i32
    %add3A_390 = arith.addi %mul3A_2, %add3A_389 : i32
    %dma_start3A_391 = arith.constant 9288 : i32
    %dma_start3A_392 = tpu.memref_slice %arg5[%dma_start3A_391] : memref<16512xf32, #tpu.memory_space<vmem>> -> memref<1024xf32, #tpu.memory_space<vmem>>
    %dma_start3A_393 = tpu.memref_slice %arg3[%add3A_390] : memref<524288xf32, #tpu.memory_space<hbm>> -> memref<1024xf32, #tpu.memory_space<hbm>>
    %dma_start3A_394 = tpu.memref_slice %arg3[%add3A_390] : memref<524288xf32, #tpu.memory_space<hbm>> -> memref<1024xf32, #tpu.memory_space<hbm>>
    %dma_start3A_395 = arith.constant 9288 : i32
    %dma_start3A_396 = tpu.memref_slice %arg5[%dma_start3A_395] : memref<16512xf32, #tpu.memory_space<vmem>> -> memref<1024xf32, #tpu.memory_space<vmem>>
    tpu.enqueue_dma source(%dma_start3A_396 : memref<1024xf32, #tpu.memory_space<vmem>>) target(%dma_start3A_394 : memref<1024xf32, #tpu.memory_space<hbm>>) target_semaphore(%arg7 : memref<!tpu.dma_semaphore, #tpu.memory_space<semaphore_mem>>)
    %add3A_397 = arith.constant 10240 : i32
    %add3A_398 = arith.addi %mul3A_2, %add3A_397 : i32
    %dma_start3A_399 = arith.constant 10320 : i32
    %dma_start3A_400 = tpu.memref_slice %arg5[%dma_start3A_399] : memref<16512xf32, #tpu.memory_space<vmem>> -> memref<1024xf32, #tpu.memory_space<vmem>>
    %dma_start3A_401 = tpu.memref_slice %arg3[%add3A_398] : memref<524288xf32, #tpu.memory_space<hbm>> -> memref<1024xf32, #tpu.memory_space<hbm>>
    %dma_start3A_402 = tpu.memref_slice %arg3[%add3A_398] : memref<524288xf32, #tpu.memory_space<hbm>> -> memref<1024xf32, #tpu.memory_space<hbm>>
    %dma_start3A_403 = arith.constant 10320 : i32
    %dma_start3A_404 = tpu.memref_slice %arg5[%dma_start3A_403] : memref<16512xf32, #tpu.memory_space<vmem>> -> memref<1024xf32, #tpu.memory_space<vmem>>
    tpu.enqueue_dma source(%dma_start3A_404 : memref<1024xf32, #tpu.memory_space<vmem>>) target(%dma_start3A_402 : memref<1024xf32, #tpu.memory_space<hbm>>) target_semaphore(%arg7 : memref<!tpu.dma_semaphore, #tpu.memory_space<semaphore_mem>>)
    %add3A_405 = arith.constant 11264 : i32
    %add3A_406 = arith.addi %mul3A_2, %add3A_405 : i32
    %dma_start3A_407 = arith.constant 11352 : i32
    %dma_start3A_408 = tpu.memref_slice %arg5[%dma_start3A_407] : memref<16512xf32, #tpu.memory_space<vmem>> -> memref<1024xf32, #tpu.memory_space<vmem>>
    %dma_start3A_409 = tpu.memref_slice %arg3[%add3A_406] : memref<524288xf32, #tpu.memory_space<hbm>> -> memref<1024xf32, #tpu.memory_space<hbm>>
    %dma_start3A_410 = tpu.memref_slice %arg3[%add3A_406] : memref<524288xf32, #tpu.memory_space<hbm>> -> memref<1024xf32, #tpu.memory_space<hbm>>
    %dma_start3A_411 = arith.constant 11352 : i32
    %dma_start3A_412 = tpu.memref_slice %arg5[%dma_start3A_411] : memref<16512xf32, #tpu.memory_space<vmem>> -> memref<1024xf32, #tpu.memory_space<vmem>>
    tpu.enqueue_dma source(%dma_start3A_412 : memref<1024xf32, #tpu.memory_space<vmem>>) target(%dma_start3A_410 : memref<1024xf32, #tpu.memory_space<hbm>>) target_semaphore(%arg7 : memref<!tpu.dma_semaphore, #tpu.memory_space<semaphore_mem>>)
    %add3A_413 = arith.constant 12288 : i32
    %add3A_414 = arith.addi %mul3A_2, %add3A_413 : i32
    %dma_start3A_415 = arith.constant 12384 : i32
    %dma_start3A_416 = tpu.memref_slice %arg5[%dma_start3A_415] : memref<16512xf32, #tpu.memory_space<vmem>> -> memref<1024xf32, #tpu.memory_space<vmem>>
    %dma_start3A_417 = tpu.memref_slice %arg3[%add3A_414] : memref<524288xf32, #tpu.memory_space<hbm>> -> memref<1024xf32, #tpu.memory_space<hbm>>
    %dma_start3A_418 = tpu.memref_slice %arg3[%add3A_414] : memref<524288xf32, #tpu.memory_space<hbm>> -> memref<1024xf32, #tpu.memory_space<hbm>>
    %dma_start3A_419 = arith.constant 12384 : i32
    %dma_start3A_420 = tpu.memref_slice %arg5[%dma_start3A_419] : memref<16512xf32, #tpu.memory_space<vmem>> -> memref<1024xf32, #tpu.memory_space<vmem>>
    tpu.enqueue_dma source(%dma_start3A_420 : memref<1024xf32, #tpu.memory_space<vmem>>) target(%dma_start3A_418 : memref<1024xf32, #tpu.memory_space<hbm>>) target_semaphore(%arg7 : memref<!tpu.dma_semaphore, #tpu.memory_space<semaphore_mem>>)
    %add3A_421 = arith.constant 13312 : i32
    %add3A_422 = arith.addi %mul3A_2, %add3A_421 : i32
    %dma_start3A_423 = arith.constant 13416 : i32
    %dma_start3A_424 = tpu.memref_slice %arg5[%dma_start3A_423] : memref<16512xf32, #tpu.memory_space<vmem>> -> memref<1024xf32, #tpu.memory_space<vmem>>
    %dma_start3A_425 = tpu.memref_slice %arg3[%add3A_422] : memref<524288xf32, #tpu.memory_space<hbm>> -> memref<1024xf32, #tpu.memory_space<hbm>>
    %dma_start3A_426 = tpu.memref_slice %arg3[%add3A_422] : memref<524288xf32, #tpu.memory_space<hbm>> -> memref<1024xf32, #tpu.memory_space<hbm>>
    %dma_start3A_427 = arith.constant 13416 : i32
    %dma_start3A_428 = tpu.memref_slice %arg5[%dma_start3A_427] : memref<16512xf32, #tpu.memory_space<vmem>> -> memref<1024xf32, #tpu.memory_space<vmem>>
    tpu.enqueue_dma source(%dma_start3A_428 : memref<1024xf32, #tpu.memory_space<vmem>>) target(%dma_start3A_426 : memref<1024xf32, #tpu.memory_space<hbm>>) target_semaphore(%arg7 : memref<!tpu.dma_semaphore, #tpu.memory_space<semaphore_mem>>)
    %add3A_429 = arith.constant 14336 : i32
    %add3A_430 = arith.addi %mul3A_2, %add3A_429 : i32
    %dma_start3A_431 = arith.constant 14448 : i32
    %dma_start3A_432 = tpu.memref_slice %arg5[%dma_start3A_431] : memref<16512xf32, #tpu.memory_space<vmem>> -> memref<1024xf32, #tpu.memory_space<vmem>>
    %dma_start3A_433 = tpu.memref_slice %arg3[%add3A_430] : memref<524288xf32, #tpu.memory_space<hbm>> -> memref<1024xf32, #tpu.memory_space<hbm>>
    %dma_start3A_434 = tpu.memref_slice %arg3[%add3A_430] : memref<524288xf32, #tpu.memory_space<hbm>> -> memref<1024xf32, #tpu.memory_space<hbm>>
    %dma_start3A_435 = arith.constant 14448 : i32
    %dma_start3A_436 = tpu.memref_slice %arg5[%dma_start3A_435] : memref<16512xf32, #tpu.memory_space<vmem>> -> memref<1024xf32, #tpu.memory_space<vmem>>
    tpu.enqueue_dma source(%dma_start3A_436 : memref<1024xf32, #tpu.memory_space<vmem>>) target(%dma_start3A_434 : memref<1024xf32, #tpu.memory_space<hbm>>) target_semaphore(%arg7 : memref<!tpu.dma_semaphore, #tpu.memory_space<semaphore_mem>>)
    %add3A_437 = arith.constant 15360 : i32
    %add3A_438 = arith.addi %mul3A_2, %add3A_437 : i32
    %dma_start3A_439 = arith.constant 15480 : i32
    %dma_start3A_440 = tpu.memref_slice %arg5[%dma_start3A_439] : memref<16512xf32, #tpu.memory_space<vmem>> -> memref<1024xf32, #tpu.memory_space<vmem>>
    %dma_start3A_441 = tpu.memref_slice %arg3[%add3A_438] : memref<524288xf32, #tpu.memory_space<hbm>> -> memref<1024xf32, #tpu.memory_space<hbm>>
    %dma_start3A_442 = tpu.memref_slice %arg3[%add3A_438] : memref<524288xf32, #tpu.memory_space<hbm>> -> memref<1024xf32, #tpu.memory_space<hbm>>
    %dma_start3A_443 = arith.constant 15480 : i32
    %dma_start3A_444 = tpu.memref_slice %arg5[%dma_start3A_443] : memref<16512xf32, #tpu.memory_space<vmem>> -> memref<1024xf32, #tpu.memory_space<vmem>>
    tpu.enqueue_dma source(%dma_start3A_444 : memref<1024xf32, #tpu.memory_space<vmem>>) target(%dma_start3A_442 : memref<1024xf32, #tpu.memory_space<hbm>>) target_semaphore(%arg7 : memref<!tpu.dma_semaphore, #tpu.memory_space<semaphore_mem>>)
    %dma_wait3A_445 = arith.constant 0 : i32
    %dma_wait3A_446 = tpu.memref_slice %arg5[%dma_wait3A_445] : memref<16512xf32, #tpu.memory_space<vmem>> -> memref<1024xf32, #tpu.memory_space<vmem>>
    %dma_wait3A_447 = tpu.memref_slice %arg3[%add3A_318] : memref<524288xf32, #tpu.memory_space<hbm>> -> memref<1024xf32, #tpu.memory_space<hbm>>
    %dma_wait3A_448 = tpu.memref_slice %arg3[%add3A_318] : memref<524288xf32, #tpu.memory_space<hbm>> -> memref<1024xf32, #tpu.memory_space<hbm>>
    %dma_wait3A_449 = arith.constant 0 : i32
    %dma_wait3A_450 = tpu.memref_slice %arg5[%dma_wait3A_449] : memref<16512xf32, #tpu.memory_space<vmem>> -> memref<1024xf32, #tpu.memory_space<vmem>>
    tpu.wait_dma2 semaphore(%arg7 : memref<!tpu.dma_semaphore, #tpu.memory_space<semaphore_mem>>) src(%dma_wait3A_450 : memref<1024xf32, #tpu.memory_space<vmem>>) dst(%dma_wait3A_448 : memref<1024xf32, #tpu.memory_space<hbm>>)
    %dma_wait3A_451 = arith.constant 1032 : i32
    %dma_wait3A_452 = tpu.memref_slice %arg5[%dma_wait3A_451] : memref<16512xf32, #tpu.memory_space<vmem>> -> memref<1024xf32, #tpu.memory_space<vmem>>
    %dma_wait3A_453 = tpu.memref_slice %arg3[%add3A_326] : memref<524288xf32, #tpu.memory_space<hbm>> -> memref<1024xf32, #tpu.memory_space<hbm>>
    %dma_wait3A_454 = tpu.memref_slice %arg3[%add3A_326] : memref<524288xf32, #tpu.memory_space<hbm>> -> memref<1024xf32, #tpu.memory_space<hbm>>
    %dma_wait3A_455 = arith.constant 1032 : i32
    %dma_wait3A_456 = tpu.memref_slice %arg5[%dma_wait3A_455] : memref<16512xf32, #tpu.memory_space<vmem>> -> memref<1024xf32, #tpu.memory_space<vmem>>
    tpu.wait_dma2 semaphore(%arg7 : memref<!tpu.dma_semaphore, #tpu.memory_space<semaphore_mem>>) src(%dma_wait3A_456 : memref<1024xf32, #tpu.memory_space<vmem>>) dst(%dma_wait3A_454 : memref<1024xf32, #tpu.memory_space<hbm>>)
    %dma_wait3A_457 = arith.constant 2064 : i32
    %dma_wait3A_458 = tpu.memref_slice %arg5[%dma_wait3A_457] : memref<16512xf32, #tpu.memory_space<vmem>> -> memref<1024xf32, #tpu.memory_space<vmem>>
    %dma_wait3A_459 = tpu.memref_slice %arg3[%add3A_334] : memref<524288xf32, #tpu.memory_space<hbm>> -> memref<1024xf32, #tpu.memory_space<hbm>>
    %dma_wait3A_460 = tpu.memref_slice %arg3[%add3A_334] : memref<524288xf32, #tpu.memory_space<hbm>> -> memref<1024xf32, #tpu.memory_space<hbm>>
    %dma_wait3A_461 = arith.constant 2064 : i32
    %dma_wait3A_462 = tpu.memref_slice %arg5[%dma_wait3A_461] : memref<16512xf32, #tpu.memory_space<vmem>> -> memref<1024xf32, #tpu.memory_space<vmem>>
    tpu.wait_dma2 semaphore(%arg7 : memref<!tpu.dma_semaphore, #tpu.memory_space<semaphore_mem>>) src(%dma_wait3A_462 : memref<1024xf32, #tpu.memory_space<vmem>>) dst(%dma_wait3A_460 : memref<1024xf32, #tpu.memory_space<hbm>>)
    %dma_wait3A_463 = arith.constant 3096 : i32
    %dma_wait3A_464 = tpu.memref_slice %arg5[%dma_wait3A_463] : memref<16512xf32, #tpu.memory_space<vmem>> -> memref<1024xf32, #tpu.memory_space<vmem>>
    %dma_wait3A_465 = tpu.memref_slice %arg3[%add3A_342] : memref<524288xf32, #tpu.memory_space<hbm>> -> memref<1024xf32, #tpu.memory_space<hbm>>
    %dma_wait3A_466 = tpu.memref_slice %arg3[%add3A_342] : memref<524288xf32, #tpu.memory_space<hbm>> -> memref<1024xf32, #tpu.memory_space<hbm>>
    %dma_wait3A_467 = arith.constant 3096 : i32
    %dma_wait3A_468 = tpu.memref_slice %arg5[%dma_wait3A_467] : memref<16512xf32, #tpu.memory_space<vmem>> -> memref<1024xf32, #tpu.memory_space<vmem>>
    tpu.wait_dma2 semaphore(%arg7 : memref<!tpu.dma_semaphore, #tpu.memory_space<semaphore_mem>>) src(%dma_wait3A_468 : memref<1024xf32, #tpu.memory_space<vmem>>) dst(%dma_wait3A_466 : memref<1024xf32, #tpu.memory_space<hbm>>)
    %dma_wait3A_469 = arith.constant 4128 : i32
    %dma_wait3A_470 = tpu.memref_slice %arg5[%dma_wait3A_469] : memref<16512xf32, #tpu.memory_space<vmem>> -> memref<1024xf32, #tpu.memory_space<vmem>>
    %dma_wait3A_471 = tpu.memref_slice %arg3[%add3A_350] : memref<524288xf32, #tpu.memory_space<hbm>> -> memref<1024xf32, #tpu.memory_space<hbm>>
    %dma_wait3A_472 = tpu.memref_slice %arg3[%add3A_350] : memref<524288xf32, #tpu.memory_space<hbm>> -> memref<1024xf32, #tpu.memory_space<hbm>>
    %dma_wait3A_473 = arith.constant 4128 : i32
    %dma_wait3A_474 = tpu.memref_slice %arg5[%dma_wait3A_473] : memref<16512xf32, #tpu.memory_space<vmem>> -> memref<1024xf32, #tpu.memory_space<vmem>>
    tpu.wait_dma2 semaphore(%arg7 : memref<!tpu.dma_semaphore, #tpu.memory_space<semaphore_mem>>) src(%dma_wait3A_474 : memref<1024xf32, #tpu.memory_space<vmem>>) dst(%dma_wait3A_472 : memref<1024xf32, #tpu.memory_space<hbm>>)
    %dma_wait3A_475 = arith.constant 5160 : i32
    %dma_wait3A_476 = tpu.memref_slice %arg5[%dma_wait3A_475] : memref<16512xf32, #tpu.memory_space<vmem>> -> memref<1024xf32, #tpu.memory_space<vmem>>
    %dma_wait3A_477 = tpu.memref_slice %arg3[%add3A_358] : memref<524288xf32, #tpu.memory_space<hbm>> -> memref<1024xf32, #tpu.memory_space<hbm>>
    %dma_wait3A_478 = tpu.memref_slice %arg3[%add3A_358] : memref<524288xf32, #tpu.memory_space<hbm>> -> memref<1024xf32, #tpu.memory_space<hbm>>
    %dma_wait3A_479 = arith.constant 5160 : i32
    %dma_wait3A_480 = tpu.memref_slice %arg5[%dma_wait3A_479] : memref<16512xf32, #tpu.memory_space<vmem>> -> memref<1024xf32, #tpu.memory_space<vmem>>
    tpu.wait_dma2 semaphore(%arg7 : memref<!tpu.dma_semaphore, #tpu.memory_space<semaphore_mem>>) src(%dma_wait3A_480 : memref<1024xf32, #tpu.memory_space<vmem>>) dst(%dma_wait3A_478 : memref<1024xf32, #tpu.memory_space<hbm>>)
    %dma_wait3A_481 = arith.constant 6192 : i32
    %dma_wait3A_482 = tpu.memref_slice %arg5[%dma_wait3A_481] : memref<16512xf32, #tpu.memory_space<vmem>> -> memref<1024xf32, #tpu.memory_space<vmem>>
    %dma_wait3A_483 = tpu.memref_slice %arg3[%add3A_366] : memref<524288xf32, #tpu.memory_space<hbm>> -> memref<1024xf32, #tpu.memory_space<hbm>>
    %dma_wait3A_484 = tpu.memref_slice %arg3[%add3A_366] : memref<524288xf32, #tpu.memory_space<hbm>> -> memref<1024xf32, #tpu.memory_space<hbm>>
    %dma_wait3A_485 = arith.constant 6192 : i32
    %dma_wait3A_486 = tpu.memref_slice %arg5[%dma_wait3A_485] : memref<16512xf32, #tpu.memory_space<vmem>> -> memref<1024xf32, #tpu.memory_space<vmem>>
    tpu.wait_dma2 semaphore(%arg7 : memref<!tpu.dma_semaphore, #tpu.memory_space<semaphore_mem>>) src(%dma_wait3A_486 : memref<1024xf32, #tpu.memory_space<vmem>>) dst(%dma_wait3A_484 : memref<1024xf32, #tpu.memory_space<hbm>>)
    %dma_wait3A_487 = arith.constant 7224 : i32
    %dma_wait3A_488 = tpu.memref_slice %arg5[%dma_wait3A_487] : memref<16512xf32, #tpu.memory_space<vmem>> -> memref<1024xf32, #tpu.memory_space<vmem>>
    %dma_wait3A_489 = tpu.memref_slice %arg3[%add3A_374] : memref<524288xf32, #tpu.memory_space<hbm>> -> memref<1024xf32, #tpu.memory_space<hbm>>
    %dma_wait3A_490 = tpu.memref_slice %arg3[%add3A_374] : memref<524288xf32, #tpu.memory_space<hbm>> -> memref<1024xf32, #tpu.memory_space<hbm>>
    %dma_wait3A_491 = arith.constant 7224 : i32
    %dma_wait3A_492 = tpu.memref_slice %arg5[%dma_wait3A_491] : memref<16512xf32, #tpu.memory_space<vmem>> -> memref<1024xf32, #tpu.memory_space<vmem>>
    tpu.wait_dma2 semaphore(%arg7 : memref<!tpu.dma_semaphore, #tpu.memory_space<semaphore_mem>>) src(%dma_wait3A_492 : memref<1024xf32, #tpu.memory_space<vmem>>) dst(%dma_wait3A_490 : memref<1024xf32, #tpu.memory_space<hbm>>)
    %dma_wait3A_493 = arith.constant 8256 : i32
    %dma_wait3A_494 = tpu.memref_slice %arg5[%dma_wait3A_493] : memref<16512xf32, #tpu.memory_space<vmem>> -> memref<1024xf32, #tpu.memory_space<vmem>>
    %dma_wait3A_495 = tpu.memref_slice %arg3[%add3A_382] : memref<524288xf32, #tpu.memory_space<hbm>> -> memref<1024xf32, #tpu.memory_space<hbm>>
    %dma_wait3A_496 = tpu.memref_slice %arg3[%add3A_382] : memref<524288xf32, #tpu.memory_space<hbm>> -> memref<1024xf32, #tpu.memory_space<hbm>>
    %dma_wait3A_497 = arith.constant 8256 : i32
    %dma_wait3A_498 = tpu.memref_slice %arg5[%dma_wait3A_497] : memref<16512xf32, #tpu.memory_space<vmem>> -> memref<1024xf32, #tpu.memory_space<vmem>>
    tpu.wait_dma2 semaphore(%arg7 : memref<!tpu.dma_semaphore, #tpu.memory_space<semaphore_mem>>) src(%dma_wait3A_498 : memref<1024xf32, #tpu.memory_space<vmem>>) dst(%dma_wait3A_496 : memref<1024xf32, #tpu.memory_space<hbm>>)
    %dma_wait3A_499 = arith.constant 9288 : i32
    %dma_wait3A_500 = tpu.memref_slice %arg5[%dma_wait3A_499] : memref<16512xf32, #tpu.memory_space<vmem>> -> memref<1024xf32, #tpu.memory_space<vmem>>
    %dma_wait3A_501 = tpu.memref_slice %arg3[%add3A_390] : memref<524288xf32, #tpu.memory_space<hbm>> -> memref<1024xf32, #tpu.memory_space<hbm>>
    %dma_wait3A_502 = tpu.memref_slice %arg3[%add3A_390] : memref<524288xf32, #tpu.memory_space<hbm>> -> memref<1024xf32, #tpu.memory_space<hbm>>
    %dma_wait3A_503 = arith.constant 9288 : i32
    %dma_wait3A_504 = tpu.memref_slice %arg5[%dma_wait3A_503] : memref<16512xf32, #tpu.memory_space<vmem>> -> memref<1024xf32, #tpu.memory_space<vmem>>
    tpu.wait_dma2 semaphore(%arg7 : memref<!tpu.dma_semaphore, #tpu.memory_space<semaphore_mem>>) src(%dma_wait3A_504 : memref<1024xf32, #tpu.memory_space<vmem>>) dst(%dma_wait3A_502 : memref<1024xf32, #tpu.memory_space<hbm>>)
    %dma_wait3A_505 = arith.constant 10320 : i32
    %dma_wait3A_506 = tpu.memref_slice %arg5[%dma_wait3A_505] : memref<16512xf32, #tpu.memory_space<vmem>> -> memref<1024xf32, #tpu.memory_space<vmem>>
    %dma_wait3A_507 = tpu.memref_slice %arg3[%add3A_398] : memref<524288xf32, #tpu.memory_space<hbm>> -> memref<1024xf32, #tpu.memory_space<hbm>>
    %dma_wait3A_508 = tpu.memref_slice %arg3[%add3A_398] : memref<524288xf32, #tpu.memory_space<hbm>> -> memref<1024xf32, #tpu.memory_space<hbm>>
    %dma_wait3A_509 = arith.constant 10320 : i32
    %dma_wait3A_510 = tpu.memref_slice %arg5[%dma_wait3A_509] : memref<16512xf32, #tpu.memory_space<vmem>> -> memref<1024xf32, #tpu.memory_space<vmem>>
    tpu.wait_dma2 semaphore(%arg7 : memref<!tpu.dma_semaphore, #tpu.memory_space<semaphore_mem>>) src(%dma_wait3A_510 : memref<1024xf32, #tpu.memory_space<vmem>>) dst(%dma_wait3A_508 : memref<1024xf32, #tpu.memory_space<hbm>>)
    %dma_wait3A_511 = arith.constant 11352 : i32
    %dma_wait3A_512 = tpu.memref_slice %arg5[%dma_wait3A_511] : memref<16512xf32, #tpu.memory_space<vmem>> -> memref<1024xf32, #tpu.memory_space<vmem>>
    %dma_wait3A_513 = tpu.memref_slice %arg3[%add3A_406] : memref<524288xf32, #tpu.memory_space<hbm>> -> memref<1024xf32, #tpu.memory_space<hbm>>
    %dma_wait3A_514 = tpu.memref_slice %arg3[%add3A_406] : memref<524288xf32, #tpu.memory_space<hbm>> -> memref<1024xf32, #tpu.memory_space<hbm>>
    %dma_wait3A_515 = arith.constant 11352 : i32
    %dma_wait3A_516 = tpu.memref_slice %arg5[%dma_wait3A_515] : memref<16512xf32, #tpu.memory_space<vmem>> -> memref<1024xf32, #tpu.memory_space<vmem>>
    tpu.wait_dma2 semaphore(%arg7 : memref<!tpu.dma_semaphore, #tpu.memory_space<semaphore_mem>>) src(%dma_wait3A_516 : memref<1024xf32, #tpu.memory_space<vmem>>) dst(%dma_wait3A_514 : memref<1024xf32, #tpu.memory_space<hbm>>)
    %dma_wait3A_517 = arith.constant 12384 : i32
    %dma_wait3A_518 = tpu.memref_slice %arg5[%dma_wait3A_517] : memref<16512xf32, #tpu.memory_space<vmem>> -> memref<1024xf32, #tpu.memory_space<vmem>>
    %dma_wait3A_519 = tpu.memref_slice %arg3[%add3A_414] : memref<524288xf32, #tpu.memory_space<hbm>> -> memref<1024xf32, #tpu.memory_space<hbm>>
    %dma_wait3A_520 = tpu.memref_slice %arg3[%add3A_414] : memref<524288xf32, #tpu.memory_space<hbm>> -> memref<1024xf32, #tpu.memory_space<hbm>>
    %dma_wait3A_521 = arith.constant 12384 : i32
    %dma_wait3A_522 = tpu.memref_slice %arg5[%dma_wait3A_521] : memref<16512xf32, #tpu.memory_space<vmem>> -> memref<1024xf32, #tpu.memory_space<vmem>>
    tpu.wait_dma2 semaphore(%arg7 : memref<!tpu.dma_semaphore, #tpu.memory_space<semaphore_mem>>) src(%dma_wait3A_522 : memref<1024xf32, #tpu.memory_space<vmem>>) dst(%dma_wait3A_520 : memref<1024xf32, #tpu.memory_space<hbm>>)
    %dma_wait3A_523 = arith.constant 13416 : i32
    %dma_wait3A_524 = tpu.memref_slice %arg5[%dma_wait3A_523] : memref<16512xf32, #tpu.memory_space<vmem>> -> memref<1024xf32, #tpu.memory_space<vmem>>
    %dma_wait3A_525 = tpu.memref_slice %arg3[%add3A_422] : memref<524288xf32, #tpu.memory_space<hbm>> -> memref<1024xf32, #tpu.memory_space<hbm>>
    %dma_wait3A_526 = tpu.memref_slice %arg3[%add3A_422] : memref<524288xf32, #tpu.memory_space<hbm>> -> memref<1024xf32, #tpu.memory_space<hbm>>
    %dma_wait3A_527 = arith.constant 13416 : i32
    %dma_wait3A_528 = tpu.memref_slice %arg5[%dma_wait3A_527] : memref<16512xf32, #tpu.memory_space<vmem>> -> memref<1024xf32, #tpu.memory_space<vmem>>
    tpu.wait_dma2 semaphore(%arg7 : memref<!tpu.dma_semaphore, #tpu.memory_space<semaphore_mem>>) src(%dma_wait3A_528 : memref<1024xf32, #tpu.memory_space<vmem>>) dst(%dma_wait3A_526 : memref<1024xf32, #tpu.memory_space<hbm>>)
    %dma_wait3A_529 = arith.constant 14448 : i32
    %dma_wait3A_530 = tpu.memref_slice %arg5[%dma_wait3A_529] : memref<16512xf32, #tpu.memory_space<vmem>> -> memref<1024xf32, #tpu.memory_space<vmem>>
    %dma_wait3A_531 = tpu.memref_slice %arg3[%add3A_430] : memref<524288xf32, #tpu.memory_space<hbm>> -> memref<1024xf32, #tpu.memory_space<hbm>>
    %dma_wait3A_532 = tpu.memref_slice %arg3[%add3A_430] : memref<524288xf32, #tpu.memory_space<hbm>> -> memref<1024xf32, #tpu.memory_space<hbm>>
    %dma_wait3A_533 = arith.constant 14448 : i32
    %dma_wait3A_534 = tpu.memref_slice %arg5[%dma_wait3A_533] : memref<16512xf32, #tpu.memory_space<vmem>> -> memref<1024xf32, #tpu.memory_space<vmem>>
    tpu.wait_dma2 semaphore(%arg7 : memref<!tpu.dma_semaphore, #tpu.memory_space<semaphore_mem>>) src(%dma_wait3A_534 : memref<1024xf32, #tpu.memory_space<vmem>>) dst(%dma_wait3A_532 : memref<1024xf32, #tpu.memory_space<hbm>>)
    %dma_wait3A_535 = arith.constant 15480 : i32
    %dma_wait3A_536 = tpu.memref_slice %arg5[%dma_wait3A_535] : memref<16512xf32, #tpu.memory_space<vmem>> -> memref<1024xf32, #tpu.memory_space<vmem>>
    %dma_wait3A_537 = tpu.memref_slice %arg3[%add3A_438] : memref<524288xf32, #tpu.memory_space<hbm>> -> memref<1024xf32, #tpu.memory_space<hbm>>
    %dma_wait3A_538 = tpu.memref_slice %arg3[%add3A_438] : memref<524288xf32, #tpu.memory_space<hbm>> -> memref<1024xf32, #tpu.memory_space<hbm>>
    %dma_wait3A_539 = arith.constant 15480 : i32
    %dma_wait3A_540 = tpu.memref_slice %arg5[%dma_wait3A_539] : memref<16512xf32, #tpu.memory_space<vmem>> -> memref<1024xf32, #tpu.memory_space<vmem>>
    tpu.wait_dma2 semaphore(%arg7 : memref<!tpu.dma_semaphore, #tpu.memory_space<semaphore_mem>>) src(%dma_wait3A_540 : memref<1024xf32, #tpu.memory_space<vmem>>) dst(%dma_wait3A_538 : memref<1024xf32, #tpu.memory_space<hbm>>)
    return
  }
}

</mosaic_0001>

<sc_bundles>
// kernel: kernel.3.cloned.1.call-start
scs
__scs_entry_jumppad:
0x0: {  	(pc) =	sbr.rel $0x88, $3  }
0x1: {  	(tag) =	ssettag $0x0;
	lr =	simm.s32 $0x1  }
0x2: {  	[smem:$0x3FA0] =	sst lr;
	_ =	strace $0xD0000000  }
0x3: {  	_ = 	snop  }
0x4: {  	_ = 	snop  }
0x5: {  	_ = 	snop  }
0x6: {  	_ = 	snop  }
0x7: {  	_ = 	snop  }
__scs_overlays_trampoline_lowered:
0x8: {  	[smem:$0x3FAF] =	sst s0  }
0x9: {  	[smem:$0x3FB0] =	sst s1  }
0xa: {  	[smem:$0x3FB1] =	sst s2  }
0xb: {  	[smem:$0x3FB2] =	sst s3  }
0xc: {  	[smem:$0x3FB3] =	sst s4  }
0xd: {  	[smem:$0x3FB4] =	sst s5  }
0xe: {  	[smem:$0x3FB5] =	sst s6  }
0xf: {  	[smem:$0x3FB6] =	sst s7  }
0x10: {  	[smem:$0x3FB7] =	sst s8  }
0x11: {  	[smem:$0x3FB8] =	sst s9;
	s0 =	simm.s32 @!p0 $0x0  }
0x12: {  	s1 =	sld [smem:$0x3F9E];
	s0 =	simm.s32 @p0 $0x1  }
0x13: {  	[smem:$0x3FB9] =	sst s0;
	s0 =	simm.s32 @!p1 $0x0  }
0x14: {  	s2 =	sld [smem:$0x3F9D];
	s0 =	simm.s32 @p1 $0x1  }
0x15: {  	[smem:$0x3FBA] =	sst s0;
	s0 =	simm.s32 @!p2 $0x0  }
0x16: {  	s3 =	sld [smem:$0x3FDB];
	s0 =	simm.s32 @p2 $0x1  }
0x17: {  	s4 =	simm.s32 $0x1BF5;
	[smem:$0x3FBC] =	sst s0  }
0x18: {  	s0 =	sld [smem:$0x3F9F];
	_ =	swait.ge [sflag:s4], $0x0  }
0x19: {  	s7 =	sld [smem:$0x3FA0]  }
0x1a: {  	s8 =	sadd.s32 $0xFFFFE003, lr  }
0x1b: {  	s9 =	sadd.s32 $0xFFFFFEF7, lr;
	s5 =	simm.s32 $0xFFFFFFFF;
	p2 =	slt.u32 s8, $0xFFFFF086  }
0x1c: {  	p1 =	slt.u32 s9, $0xF7A;
	s5 =	simm.s32 @!p2 $0x0  }
0x1d: {  	s5 =	simm.s32 @p1 $0x1;
	p0 =	seq.s32 s7, s2  }
0x1e: {  	s7 =	smul.u32 @!p0 $0xF7A, s2;
	p2 =	seq.s32 @!p0 s5, $0x0  }
0x1f: {  	s9 =	smul.u32 $0xF7A, s1;
	s8 =	simm.s32 @!p0 $0x1BF5;
	p2 =	por !p2, p0  }
0x20: {  	[sflag:s8] =	ssyncset.s32 @!p0 $0xFFFFF086;
	s6 =	sadd.s32 @!p0 s3, s7;
	s7 =	simm.s32 @!p0 $0x108  }
0x21: {  	s3 =	sadd.s32 s3, s9;
	s6 =	sadd.s32 @!p0 $0x88, s6;
	s7 =	simm.s32 @p2 $0x1082  }
0x22: {  	[simem:s7], [sflag:s8] =	dma.local @!p0 [hbm:s6], $0xF7A  }
0x23: {  	s9 =	sor.u32 $0xD0000000, s2;
	s6 =	simm.s32 $0x108;
	_ =	swait.ge @!p0 [sflag:s8], $0x0  }
0x24: {  	s3 =	sadd.s32 $0x88, s3;
	s6 =	simm.s32 @!p1 $0x1082;
	[sflag:s4] =	ssyncset.s32 $0xFFFFF086  }
0x25: {  	[simem:s6], [sflag:s4] =	dma.local [hbm:s3], $0xF7A  }
0x26: {  	[smem:$0x3FA0] =	sst s1;
	(tag) =	ssettag s2;
	_ =	strace s9  }
0x27: {  	s1 =	sld [smem:$0x3FB0]  }
0x28: {  	s2 =	sld [smem:$0x3FB1]  }
0x29: {  	s4 =	sld [smem:$0x3FB3]  }
0x2a: {  	p0 =	seq.s32 s5, $0x0;
	s5 =	sld [smem:$0x3FB4]  }
0x2b: {  	s6 =	sld [smem:$0x3FB5]  }
0x2c: {  	s7 =	sld [smem:$0x3FB6]  }
0x2d: {  	s3 =	simm.s32 $0x108;
	s8 =	sld [smem:$0x3FB7]  }
0x2e: {  	s3 =	simm.s32 @!p0 $0x1082;
	s9 =	sld [smem:$0x3FB8]  }
0x2f: {  	lr =	sadd.s32 s0, s3;
	s0 =	sld [smem:$0x3FAF]  }
0x30: {  	s3 =	sld [smem:$0x3FB2]  }
0x31: {  	[smem:$0x3FBB] =	sst s10  }
0x32: {  	s10 =	sld [smem:$0x3FB9];
	_ =	sdelay $0x3  }
0x33: {  	p0 =	seq.s32 s10, $0x1;
	s10 =	sld [smem:$0x3FBB];
	_ =	sdelay $0x3  }
0x34: {  	[smem:$0x3FBB] =	sst s10  }
0x35: {  	s10 =	sld [smem:$0x3FBA];
	_ =	sdelay $0x3  }
0x36: {  	p1 =	seq.s32 s10, $0x1;
	s10 =	sld [smem:$0x3FBB];
	_ =	sdelay $0x3  }
0x37: {  	[smem:$0x3FBB] =	sst s10  }
0x38: {  	s10 =	sld [smem:$0x3FBC]  }
0x39: {  	_ = 	snop;
	(pc) =	sbr.ind lr, $3  }
0x3a: {  	_ = 	snop  }
0x3b: {  	_ = 	snop  }
0x3c: {  	p2 =	seq.s32 s10, $0x1;
	s10 =	sld [smem:$0x3FBB]  }
0x3d: {  	_ =	shalt  }
0x3e: {  	_ =	shalt  }
0x3f: {  	_ =	shalt  }
0x40: {  	_ =	shalt  }
0x41: {  	_ =	shalt  }
0x42: {  	_ =	shalt  }
0x43: {  	_ =	shalt  }
0x44: {  	_ =	shalt  }
0x45: {  	_ =	shalt  }
0x46: {  	_ =	shalt  }
0x47: {  	_ =	shalt  }
0x48: {  	_ =	shalt  }
0x49: {  	_ =	shalt  }
0x4a: {  	_ =	shalt  }
0x4b: {  	_ =	shalt  }
0x4c: {  	_ =	shalt  }
0x4d: {  	_ =	shalt  }
0x4e: {  	_ =	shalt  }
0x4f: {  	_ =	shalt  }
0x50: {  	_ =	shalt  }
0x51: {  	_ =	shalt  }
0x52: {  	_ =	shalt  }
0x53: {  	_ =	shalt  }
0x54: {  	_ =	shalt  }
0x55: {  	_ =	shalt  }
0x56: {  	_ =	shalt  }
0x57: {  	_ =	shalt  }
0x58: {  	_ =	shalt  }
0x59: {  	_ =	shalt  }
0x5a: {  	_ =	shalt  }
0x5b: {  	_ =	shalt  }
0x5c: {  	_ =	shalt  }
0x5d: {  	_ =	shalt  }
0x5e: {  	_ =	shalt  }
0x5f: {  	_ =	shalt  }
0x60: {  	_ =	shalt  }
0x61: {  	_ =	shalt  }
0x62: {  	_ =	shalt  }
0x63: {  	_ =	shalt  }
0x64: {  	_ =	shalt  }
0x65: {  	_ =	shalt  }
0x66: {  	_ =	shalt  }
0x67: {  	_ =	shalt  }
0x68: {  	_ =	shalt  }
0x69: {  	_ =	shalt  }
0x6a: {  	_ =	shalt  }
0x6b: {  	_ =	shalt  }
0x6c: {  	_ =	shalt  }
0x6d: {  	_ =	shalt  }
0x6e: {  	_ =	shalt  }
0x6f: {  	_ =	shalt  }
0x70: {  	_ =	shalt  }
0x71: {  	_ =	shalt  }
0x72: {  	_ =	shalt  }
0x73: {  	_ =	shalt  }
0x74: {  	_ =	shalt  }
0x75: {  	_ =	shalt  }
0x76: {  	_ =	shalt  }
0x77: {  	_ =	shalt  }
0x78: {  	_ =	shalt  }
0x79: {  	_ =	shalt  }
0x7a: {  	_ =	shalt  }
0x7b: {  	_ =	shalt  }
0x7c: {  	_ =	shalt  }
0x7d: {  	_ =	shalt  }
0x7e: {  	_ =	shalt  }
0x7f: {  	_ =	shalt  }
0x80: {  	_ =	shalt  }
0x81: {  	_ =	shalt  }
0x82: {  	_ =	shalt  }
0x83: {  	_ =	shalt  }
0x84: {  	_ =	shalt  }
0x85: {  	_ =	shalt  }
0x86: {  	_ =	shalt  }
0x87: {  	_ =	shalt  }
.Lfunc_end0:
.L_simem_size_0:
called_computation_lowered:
.L_overlay_start_0:
0x88: {  	s2 =	sld [smem:$0x3FD9]  }
0x89: {  	s3 =	sld [smem:$0x3FFE];
	_ =	sdelay $0x1  }
0x8a: {  	s1 =	srdreg.scid  }
0x8b: {  	s0 =	sand.u32 $0x1, s1  }
0x8c: {  	s17 =	sshll.u32 s0, $0xA;
	s2 =	sadd.s32 s3, s2  }
0x8d: {  	s2 =	sadd.s32 s2, s17  }
0x8e: {  	[smem:$0x3FC7] =	sst s2  }
0x8f: {  	_ = 	snop  }
0x90: {  	s2 =	sld [smem:$0x3FD0];
	(tm) =	ssettm $0x1  }
0x91: {  	s18 =	sld [smem:$0x3FFB];
	_ =	sdelay $0x3  }
0x92: {  	_ =	strace s18  }
0x93: {  	s3 =	sld [smem:$0x3FFC];
	_ =	sdelay $0x3  }
0x94: {  	_ =	strace s3  }
0x95: {  	s3 =	sld [smem:$0x3FFD];
	_ =	sdelay $0x3  }
0x96: {  	_ =	strace s3  }
0x97: {  	_ =	strace $0x8FFFFFFF  }
0x98: {  	s19 =	sld [smem:$0x3FDB];
	_ =	sdelay $0x1  }
0x99: {  	s4 =	simm.s32 $_scs_section_size  }
0x9a: {  	s5 =	simm.s32 $_size__tile_overlayer_lowered;
	s6 =	simm.s32 $_tile_overlayer_lowered  }
0x9b: {  	s22 =	simm.s32 $0x1BFF;
	s21 =	sshll.u32 s6, $0x1;
	s3 =	sadd.s32 s4, s19  }
0x9c: {  	s7 =	simm.s32 $0x0;
	s20 =	sshll.u32 s5, $0x1;
	s5 =	sadd.s32 s21, s3  }
0x9d: {  	[timem:s7], [sflag:s22] =	dma.local [hbm:s5], s20  }
0x9e: {  	_ =	swait.ge [sflag:s22], s20  }
0x9f: {  	s4 =	ssub.s32 $0x0, s20;
	[sflag:s22] =	ssyncset.done $0x0  }
0xa0: {  	[sflag:s22] =	ssyncadd.s32 s4;
	_ =	sdelay $0x1  }
0xa1: {  	s23 =	simm.s32 $0x1B8B  }
0xa2: {  	_ =	swait.ge [sflag:s23], $0x1  }
0xa3: {  	[sflag:s23] =	ssyncset.done $0x0  }
0xa4: {  	s25 =	simm.s32 $0x1B8E;
	s24 =	sld [smem:$0x3FFE];
	[sflag:s23] =	ssyncadd.s32 $0xFFFFFFFF  }
0xa5: {  	s26 =	simm.s32 $execute0_lowered;
	[smem:$0x3FD2] =	sst s25  }
0xa6: {  	s5 =	sshll.u32 s26, $0x1;
	_ =	strace $0x80000046;
	[dreg:$0x1] =	wrdreg $0xFFFFFFFF  }
0xa7: {  	s28 =	simm.s32 $_size_execute0_lowered;
	s3 =	sadd.s32 s3, s5;
	[dreg:$0x0] =	wrdreg $0x0  }
0xa8: {  	s5 =	sshll.u32 s28, $0x1;
	[dreg:$0x2] =	wrdreg s3  }
0xa9: {  	[dreg:$0x3] =	wrdreg s5  }
0xaa: {  	[dreg:$0x4] =	wrdreg $0xC0  }
0xab: {  	_ =	task [dreg:s7], $0x5FFFF  }
0xac: {  	[dreg:$0x1] =	wrdreg $0xFFFFFFFF  }
0xad: {  	[dreg:$0x0] =	wrdreg $0x60  }
0xae: {  	[dreg:$0x2] =	wrdreg s2  }
0xaf: {  	[dreg:$0x3] =	wrdreg s24  }
0xb0: {  	[dreg:$0x4] =	wrdreg $0x9  }
0xb1: {  	_ =	task.clear_ibuf [dreg:s7], $0x5FFFF;
	_ =	strace $0x90000046  }
0xb2: {  	s29 =	simm.s32 $0x9;
	_ =	strace $0x80000048  }
0xb3: {  	_ =	swait.ge [sflag:s29], $0x1  }
0xb4: {  	[sflag:s29] =	ssyncadd.s32 $0xFFFFFFFF  }
0xb5: {  	_ =	strace $0x90000048  }
0xb6: {  	_ =	sfence  }
0xb7: {  	s30 =	sld [smem:$0x0];
	_ =	sdelay $0x2  }
0xb8: {  	s31 =	sshll.u32 s1, $0xD;
	s1 =	sshrl.u32 s1, $0x2  }
0xb9: {  	s3 =	sand.u32 $0x4000, s31;
	s1 =	sadd.s32 s1, s30  }
0xba: {  	s0 =	sor.u32 s3, s0;
	s1 =	sshll.u32 s1, $0x11  }
0xbb: {  	s0 =	sor.u32 s1, s0  }
0xbc: {  	s0 =	sadd.s32 $0x8F2B, s0  }
0xbd: {  	[sflag:s0] =	ssyncadd.remote.s32 $0x1  }
0xbe: {  	_ =	sfence.sel $0xFFFF  }
0xbf: {  	[dreg:$0x0] =	wrdreg $0xFFFFFFFF;
	(pc) =	sbr.abs _section_cstart, $3  }
0xc0: {  	[dreg:$0x1] =	wrdreg $0xFFFFFFFF  }
0xc1: {  	_ =	task.clear_ibuf [dreg:s7], $0x2FFFF;
	_ =	strace $0x9FFFFFFF  }
0xc2: {  	(tm) =	ssettm $0x7FFFFFFF  }
0xc3: {  	_ =	shalt  }
tec
execute0_lowered:
.L_overlay_start_1:
0x0: {  	(tag) =	ssettag $0x1  }
0x1: {  	s0 =	rddreg [dreg:$0x0];
	s3 =	srdreg.scid  }
0x2: {  	s2 =	rddreg [dreg:$0x1];
	s1 =	simm.s32 $0x0;
	s3 =	sand.u32 $0x1, s3  }
0x3: {  	s5 =	stileid.u32;
	[smem:$0x7FF] =	sst s1;
	s4 =	ssub.s32 $0x2, s3  }
0x4: {  	s5 =	sshll.u32 s5, $0xC;
	s3 =	sshll.u32 s3, $0xB;
	s24 =	sshrl.u32 s4, $0x1  }
0x5: {  	s6 =	sadd.s32 $0x400, s2;
	s3 =	sor.u32 s3, s5;
	s2 =	ssub.s32 s4, s24  }
0x6: {  	s25 =	sadd.s32 s0, s3;
	s5 =	sor.u32 $0x100, s3;
	s7 =	sor.u32 $0x180, s3  }
0x7: {  	s9 =	sor.u32 $0x280, s3;
	s10 =	sor.u32 $0x300, s3;
	s11 =	sor.u32 $0x380, s3  }
0x8: {  	s28 =	sor.u32 $0x480, s3;
	s30 =	sor.u32 $0x500, s3;
	s31 =	sor.u32 $0x580, s3  }
0x9: {  	s12 =	sor.u32 $0x600, s3;
	s13 =	sor.u32 $0x680, s3;
	[dreg:$0xd] =	wrdreg s2  }
0xa: {  	s14 =	sor.u32 $0x700, s3;
	s15 =	sor.u32 $0x780, s3;
	[dreg:$0xf] =	wrdreg s25  }
0xb: {  	s2 =	sor.u32 $0x80, s3;
	s4 =	sadd.s32 s0, s5;
	s8 =	sadd.s32 s0, s7  }
0xc: {  	s17 =	sadd.s32 s0, s9;
	s18 =	sadd.s32 s0, s10;
	s19 =	sadd.s32 s0, s11  }
0xd: {  	s21 =	sadd.s32 s0, s28;
	s22 =	sadd.s32 s0, s30;
	s23 =	sadd.s32 s0, s31  }
0xe: {  	s24 =	sadd.s32 s0, s12;
	s25 =	sadd.s32 s0, s13;
	s29 =	sadd.s32 s0, s14  }
0xf: {  	s26 =	sadd.s32 s0, s2;
	[dreg:$0xe] =	wrdreg s8;
	s8 =	sor.u32 $0x200, s3  }
0x10: {  	[dreg:$0x10] =	wrdreg s26;
	s16 =	sadd.s32 s0, s8;
	s26 =	sor.u32 $0x400, s3  }
0x11: {  	s3 =	sadd.s32 s6, s3;
	s20 =	sadd.s32 s0, s26;
	s0 =	sadd.s32 s0, s15  }
0x12: {  	[dreg:$0x4] =	wrdreg s3;
	s3 =	sadd.s32 s6, s2;
	s2 =	sadd.s32 s6, s5  }
0x13: {  	s5 =	sadd.s32 s6, s8;
	s8 =	sadd.s32 s6, s10;
	s10 =	sadd.s32 s6, s26  }
0x14: {  	s26 =	sadd.s32 s6, s28;
	s28 =	sadd.s32 s6, s12;
	s12 =	rddreg [dreg:$0xf]  }
0x15: {  	[dreg:$0x3] =	wrdreg s0  }
0x16: {  	[dreg:$0x5] =	wrdreg s3  }
0x17: {  	[dreg:$0x6] =	wrdreg s2  }
0x18: {  	[dreg:$0x8] =	wrdreg s5  }
0x19: {  	[dreg:$0xa] =	wrdreg s8  }
0x1a: {  	[dreg:$0xc] =	wrdreg s10  }
0x1b: {  	v0 =	vlaneseq.u32;
	s3 =	sadd.s32 s6, s7;
	s0 =	sadd.s32 s6, s13;
	s13 =	rddreg [dreg:$0x10]  }
0x1c: {  	v0 =	vmul.u32 $0x408, v0;
	s7 =	sadd.s32 s6, s9;
	[dreg:$0x7] =	wrdreg s3  }
0x1d: {  	s9 =	sadd.s32 s6, s11;
	[dreg:$0x9] =	wrdreg s7  }
0x1e: {  	v1 =	vadd.s32 $0x80, v0;
	[dreg:$0xb] =	wrdreg s9  }
0x1f: {  	v51 =	vadd.s32 $0x100, v0;
	s3 =	sadd.s32 s6, s15;
	s15 =	rddreg [dreg:$0xe];
	_ =	strace $0x80000047;
	[tilespmem:$0x1FF10] =	vst v1  }
0x20: {  	v52 =	vadd.s32 $0x180, v0;
	[tilespmem:$0x1FF20] =	vst v51  }
0x21: {  	v53 =	vadd.s32 $0x200, v0;
	[tilespmem:$0x1FF30] =	vst v52  }
0x22: {  	v54 =	vadd.s32 $0x280, v0;
	[tilespmem:$0x1FF40] =	vst v53  }
0x23: {  	v55 =	vadd.s32 $0x300, v0;
	[tilespmem:$0x1FF50] =	vst v54  }
0x24: {  	v56 =	vadd.s32 $0x380, v0;
	[tilespmem:$0x1FF60] =	vst v55  }
0x25: {  	v57 =	vadd.s32 $0x7F, v0;
	[tilespmem:$0x1FF70] =	vst v56  }
0x26: {  	v58 =	vadd.s32 $0xFF, v0;
	[tilespmem:$0x1FF80] =	vst v57  }
0x27: {  	v59 =	vadd.s32 $0x17F, v0;
	[tilespmem:$0x1FF90] =	vst v58  }
0x28: {  	v60 =	vadd.s32 $0x1FF, v0;
	[tilespmem:$0x1FFA0] =	vst v59  }
0x29: {  	v61 =	vadd.s32 $0x27F, v0;
	[tilespmem:$0x1FFB0] =	vst v60  }
0x2a: {  	v62 =	vadd.s32 $0x2FF, v0;
	[tilespmem:$0x1FFC0] =	vst v61  }
0x2b: {  	v63 =	vadd.s32 $0x37F, v0;
	s30 =	sadd.s32 s6, s30;
	s31 =	sadd.s32 s6, s31;
	s2 =	sadd.s32 s6, s14;
	[tilespmem:$0x1FFD0] =	vst v62  }
0x2c: {  	v0 =	vadd.s32 $0x3FF, v0;
	s14 =	smov.u32 s4;
	s5 =	simm.s32 $0x1;
	[tilespmem:$0x1FFE0] =	vst v63;
	s11 =	rddreg [dreg:$0xd]  }
0x2d: {  	s6 =	simm.s32 $0x4080;
	s7 =	simm.s32 $0x0;
	[tilespmem:$0x1FFF0] =	vst v0;
	s4 =	smax.u32 s11, $0x1  }
.LBB2_1:
0x2e: {  	[tilespmem:s1], [sflag:$0x1] =	stream.linear.gather [hbm4b:s12+s1], $0x400, $0x38;
	[tilespmem:$0xC900] =	vst v63  }
0x2f: {  	s8 =	simm.s32 $0x408  }
0x30: {  	[tilespmem:s8], [sflag:$0x1] =	stream.linear.gather [hbm4b:s13+s1], $0x400, $0x38;
	[tilespmem:$0xC900] =	vst v63  }
0x31: {  	s10 =	simm.s32 $0x810  }
0x32: {  	[tilespmem:s10], [sflag:$0x1] =	stream.linear.gather [hbm4b:s14+s1], $0x400, $0x38;
	[tilespmem:$0xC900] =	vst v63  }
0x33: {  	s11 =	simm.s32 $0xC18  }
0x34: {  	[tilespmem:s11], [sflag:$0x1] =	stream.linear.gather [hbm4b:s15+s1], $0x400, $0x38;
	[tilespmem:$0xC900] =	vst v63  }
0x35: {  	s9 =	simm.s32 $0x1020  }
0x36: {  	[tilespmem:s9], [sflag:$0x1] =	stream.linear.gather [hbm4b:s16+s1], $0x400, $0x38;
	[tilespmem:$0xC900] =	vst v63  }
0x37: {  	s10 =	simm.s32 $0x1428  }
0x38: {  	[tilespmem:s10], [sflag:$0x1] =	stream.linear.gather [hbm4b:s17+s1], $0x400, $0x38;
	[tilespmem:$0xC900] =	vst v63  }
0x39: {  	s11 =	simm.s32 $0x1830  }
0x3a: {  	[tilespmem:s11], [sflag:$0x1] =	stream.linear.gather [hbm4b:s18+s1], $0x400, $0x38;
	[tilespmem:$0xC900] =	vst v63  }
0x3b: {  	s9 =	simm.s32 $0x1C38  }
0x3c: {  	[tilespmem:s9], [sflag:$0x1] =	stream.linear.gather [hbm4b:s19+s1], $0x400, $0x38;
	[tilespmem:$0xC900] =	vst v63  }
0x3d: {  	s10 =	simm.s32 $0x2040  }
0x3e: {  	[tilespmem:s10], [sflag:$0x1] =	stream.linear.gather [hbm4b:s20+s1], $0x400, $0x38;
	[tilespmem:$0xC900] =	vst v63  }
0x3f: {  	s11 =	simm.s32 $0x2448  }
0x40: {  	[tilespmem:s11], [sflag:$0x1] =	stream.linear.gather [hbm4b:s21+s1], $0x400, $0x38;
	[tilespmem:$0xC900] =	vst v63  }
0x41: {  	s9 =	simm.s32 $0x2850  }
0x42: {  	[tilespmem:s9], [sflag:$0x1] =	stream.linear.gather [hbm4b:s22+s1], $0x400, $0x38;
	[tilespmem:$0xC900] =	vst v63  }
0x43: {  	s10 =	simm.s32 $0x2C58  }
0x44: {  	[tilespmem:s10], [sflag:$0x1] =	stream.linear.gather [hbm4b:s23+s1], $0x400, $0x38;
	[tilespmem:$0xC900] =	vst v63  }
0x45: {  	s11 =	simm.s32 $0x3060  }
0x46: {  	[tilespmem:s11], [sflag:$0x1] =	stream.linear.gather [hbm4b:s24+s1], $0x400, $0x38;
	[tilespmem:$0xC900] =	vst v63  }
0x47: {  	s9 =	simm.s32 $0x3468  }
0x48: {  	[tilespmem:s9], [sflag:$0x1] =	stream.linear.gather [hbm4b:s25+s1], $0x400, $0x38;
	[tilespmem:$0xC900] =	vst v63  }
0x49: {  	s10 =	simm.s32 $0x3870  }
0x4a: {  	[tilespmem:s10], [sflag:$0x1] =	stream.linear.gather [hbm4b:s29+s1], $0x400, $0x38;
	[tilespmem:$0xC900] =	vst v63  }
0x4b: {  	s11 =	rddreg [dreg:$0x3];
	s9 =	simm.s32 $0x3C78  }
0x4c: {  	[tilespmem:s9], [sflag:$0x1] =	stream.linear.gather [hbm4b:s11+s1], $0x400, $0x38;
	[tilespmem:$0xC900] =	vst v63  }
0x4d: {  	_ =	swait.ge [sflag:s5], $0x400  }
0x4e: {  	[sflag:s5] =	ssyncset.done $0x0  }
0x4f: {  	[sflag:s5] =	ssyncadd.s32 $0xFFFFFC00  }
0x50: {  	_ =	swait.ge [sflag:s5], $0x400  }
0x51: {  	[sflag:s5] =	ssyncset.done $0x0  }
0x52: {  	[sflag:s5] =	ssyncadd.s32 $0xFFFFFC00  }
0x53: {  	_ =	swait.ge [sflag:s5], $0x400  }
0x54: {  	[sflag:s5] =	ssyncset.done $0x0  }
0x55: {  	[sflag:s5] =	ssyncadd.s32 $0xFFFFFC00  }
0x56: {  	_ =	swait.ge [sflag:s5], $0x400  }
0x57: {  	[sflag:s5] =	ssyncset.done $0x0  }
0x58: {  	[sflag:s5] =	ssyncadd.s32 $0xFFFFFC00  }
0x59: {  	_ =	swait.ge [sflag:s5], $0x400  }
0x5a: {  	[sflag:s5] =	ssyncset.done $0x0  }
0x5b: {  	[sflag:s5] =	ssyncadd.s32 $0xFFFFFC00  }
0x5c: {  	_ =	swait.ge [sflag:s5], $0x400  }
0x5d: {  	[sflag:s5] =	ssyncset.done $0x0  }
0x5e: {  	[sflag:s5] =	ssyncadd.s32 $0xFFFFFC00  }
0x5f: {  	_ =	swait.ge [sflag:s5], $0x400  }
0x60: {  	[sflag:s5] =	ssyncset.done $0x0  }
0x61: {  	[sflag:s5] =	ssyncadd.s32 $0xFFFFFC00  }
0x62: {  	_ =	swait.ge [sflag:s5], $0x400  }
0x63: {  	[sflag:s5] =	ssyncset.done $0x0  }
0x64: {  	[sflag:s5] =	ssyncadd.s32 $0xFFFFFC00  }
0x65: {  	_ =	swait.ge [sflag:s5], $0x400  }
0x66: {  	[sflag:s5] =	ssyncset.done $0x0  }
0x67: {  	[sflag:s5] =	ssyncadd.s32 $0xFFFFFC00  }
0x68: {  	_ =	swait.ge [sflag:s5], $0x400  }
0x69: {  	[sflag:s5] =	ssyncset.done $0x0  }
0x6a: {  	[sflag:s5] =	ssyncadd.s32 $0xFFFFFC00  }
0x6b: {  	_ =	swait.ge [sflag:s5], $0x400  }
0x6c: {  	[sflag:s5] =	ssyncset.done $0x0  }
0x6d: {  	[sflag:s5] =	ssyncadd.s32 $0xFFFFFC00  }
0x6e: {  	_ =	swait.ge [sflag:s5], $0x400  }
0x6f: {  	[sflag:s5] =	ssyncset.done $0x0  }
0x70: {  	[sflag:s5] =	ssyncadd.s32 $0xFFFFFC00  }
0x71: {  	_ =	swait.ge [sflag:s5], $0x400  }
0x72: {  	[sflag:s5] =	ssyncset.done $0x0  }
0x73: {  	[sflag:s5] =	ssyncadd.s32 $0xFFFFFC00  }
0x74: {  	_ =	swait.ge [sflag:s5], $0x400  }
0x75: {  	[sflag:s5] =	ssyncset.done $0x0  }
0x76: {  	[sflag:s5] =	ssyncadd.s32 $0xFFFFFC00  }
0x77: {  	_ =	swait.ge [sflag:s5], $0x400  }
0x78: {  	[sflag:s5] =	ssyncset.done $0x0  }
0x79: {  	[sflag:s5] =	ssyncadd.s32 $0xFFFFFC00  }
0x7a: {  	_ =	swait.ge [sflag:s5], $0x400  }
0x7b: {  	v11 =	vld [tilespmem:$0x1FF10];
	_ =	sdelay $0x4  }
0x7c: {  	v0 =	vor.u32 $0x1, v11  }
0x7d: {  	[sflag:s5] =	ssyncset.done $0x0;
	v1 =	vor.u32 $0x2, v11  }
0x7e: {  	[sflag:s5] =	ssyncadd.s32 $0xFFFFFC00;
	v3 =	vor.u32 $0x3, v11  }
0x7f: {  	v2 =	vld.idx.msk [tilespmem:v11+s1+$0x0], $0xffff  }
0x80: {  	v12 =	vld [tilespmem:$0x1FF20]  }
0x81: {  	v4 =	vimm.f32 $1.280000000e+02;
	v0 =	vld.idx.msk [tilespmem:v0+s1+$0x0], $0xffff  }
0x82: {  	v5 =	vadd.f32 $1.000000000e+00, v4;
	v1 =	vld.idx.msk [tilespmem:v1+s1+$0x0], $0xffff  }
0x83: {  	v3 =	vld.idx.msk [tilespmem:v3+s1+$0x0], $0xffff  }
0x84: {  	v2 =	vsub.f32 v2, v4;
	v4 =	vadd.f32 $1.000000000e+00, v5  }
0x85: {  	v44 =	vimm.f32 $-2.999999890e+30;
	v6 =	vor.u32 $0x1, v12  }
0x86: {  	v0 =	vsub.f32 v0, v5;
	v5 =	vor.u32 $0x2, v12;
	v7 =	vadd.f32 $1.000000000e+00, v4  }
0x87: {  	s8 =	simm.s32 $0xA100;
	v2 =	vmax.f32 v2, v44;
	v1 =	vsub.f32 v1, v4  }
0x88: {  	[tilespmem:s8+$0xFFFFE800] =	vst v2;
	v0 =	vmax.f32 v0, v2;
	v2 =	vor.u32 $0x3, v12;
	v3 =	vsub.f32 v3, v7  }
0x89: {  	v8 =	vld.idx.msk [tilespmem:v12+s1+$0x0], $0xffff;
	[tilespmem:s8+$0xFFFFE810] =	vst v0;
	v0 =	vmax.f32 v1, v0  }
0x8a: {  	v1 =	vld.idx.msk [tilespmem:v6+s1+$0x0], $0xffff;
	[tilespmem:s8+$0xFFFFE820] =	vst v0;
	v3 =	vmax.f32 v3, v0  }
0x8b: {  	v4 =	vimm.f32 $2.560000000e+02;
	v0 =	vld.idx.msk [tilespmem:v5+s1+$0x0], $0xffff;
	[tilespmem:s8+$0xFFFFE830] =	vst v3  }
0x8c: {  	v5 =	vadd.f32 $1.000000000e+00, v4;
	v13 =	vld [tilespmem:$0x1FF30]  }
0x8d: {  	v2 =	vld.idx.msk [tilespmem:v2+s1+$0x0], $0xffff  }
0x8e: {  	v4 =	vsub.f32 v8, v4;
	v8 =	vadd.f32 $1.000000000e+00, v5;
	_ =	sdelay $0x1  }
0x8f: {  	v1 =	vsub.f32 v1, v5;
	v9 =	vadd.f32 $1.000000000e+00, v8  }
0x90: {  	v4 =	vmax.f32 v4, v44;
	v0 =	vsub.f32 v0, v8  }
0x91: {  	[tilespmem:s8+$0xFFFFF000] =	vst v4;
	v1 =	vmax.f32 v1, v4;
	v2 =	vsub.f32 v2, v9  }
0x92: {  	v6 =	vor.u32 $0x1, v13;
	[tilespmem:s8+$0xFFFFF010] =	vst v1;
	v0 =	vmax.f32 v0, v1  }
0x93: {  	v5 =	vor.u32 $0x2, v13;
	[tilespmem:s8+$0xFFFFF020] =	vst v0;
	v2 =	vmax.f32 v2, v0  }
0x94: {  	v10 =	vld.idx.msk [tilespmem:v13+s1+$0x0], $0xffff;
	[tilespmem:s8+$0xFFFFF030] =	vst v2  }
0x95: {  	v16 =	vimm.f32 $8.960000000e+02;
	v4 =	vor.u32 $0x3, v13;
	v14 =	vld [tilespmem:$0x1FF40]  }
0x96: {  	v17 =	vadd.f32 $1.000000000e+00, v16  }
0x97: {  	v1 =	vld.idx.msk [tilespmem:v6+s1+$0x0], $0xffff  }
0x98: {  	v19 =	vadd.f32 $1.000000000e+00, v17;
	v6 =	vimm.f32 $3.840000000e+02;
	v0 =	vld.idx.msk [tilespmem:v5+s1+$0x0], $0xffff  }
0x99: {  	v5 =	vadd.f32 $1.000000000e+00, v6;
	v6 =	vsub.f32 v10, v6  }
0x9a: {  	v20 =	vadd.f32 $1.000000000e+00, v19;
	v4 =	vld.idx.msk [tilespmem:v4+s1+$0x0], $0xffff  }
0x9b: {  	v10 =	vadd.f32 $1.000000000e+00, v5;
	v8 =	vor.u32 $0x1, v14;
	v6 =	vmax.f32 v6, v44  }
0x9c: {  	v18 =	vadd.f32 $1.000000000e+00, v20;
	v1 =	vsub.f32 v1, v5;
	[tilespmem:s8+$0xFFFFF800] =	vst v6  }
0x9d: {  	v5 =	vor.u32 $0x2, v14;
	v24 =	vadd.f32 $1.000000000e+00, v10;
	v10 =	vsub.f32 v0, v10;
	v22 =	vld.idx.msk [tilespmem:v14+s1+$0x0], $0xffff  }
0x9e: {  	v0 =	vadd.s32 $0x4, v11;
	v1 =	vmax.f32 v1, v6;
	v6 =	vor.u32 $0x3, v14  }
0x9f: {  	v4 =	vsub.f32 v4, v24;
	[tilespmem:s8+$0xFFFFF810] =	vst v1;
	v1 =	vmax.f32 v10, v1;
	v10 =	vor.u32 $0x1, v0  }
0xa0: {  	v8 =	vld.idx.msk [tilespmem:v8+s1+$0x0], $0xffff  }
0xa1: {  	v25 =	vimm.f32 $5.120000000e+02;
	v23 =	vadd.f32 $1.000000000e+00, v18;
	[tilespmem:s8+$0xFFFFF820] =	vst v1;
	v1 =	vmax.f32 v4, v1  }
0xa2: {  	v4 =	vld.idx.msk [tilespmem:v5+s1+$0x0], $0xffff;
	[tilespmem:s8+$0xFFFFF830] =	vst v1;
	v5 =	vadd.f32 $1.000000000e+00, v25;
	v25 =	vsub.f32 v22, v25  }
0xa3: {  	v6 =	vld.idx.msk [tilespmem:v6+s1+$0x0], $0xffff  }
0xa4: {  	v21 =	vadd.f32 $1.000000000e+00, v23;
	v10 =	vld.idx.msk [tilespmem:v10+s1+$0x0], $0xffff;
	v25 =	vmax.f32 v25, v44  }
0xa5: {  	v26 =	vor.u32 $0x2, v0;
	v27 =	vadd.f32 $1.000000000e+00, v5;
	v5 =	vsub.f32 v8, v5;
	v8 =	vld.idx.msk [tilespmem:v0+s1+$0x0], $0xffff;
	[tilespmem:s8+$0x0] =	vst v25  }
0xa6: {  	v30 =	vimm.f32 $6.400000000e+02;
	v7 =	vadd.f32 $1.000000000e+00, v7;
	v9 =	vadd.f32 $1.000000000e+00, v9;
	v11 =	vld [tilespmem:$0x1FF50]  }
0xa7: {  	v29 =	vor.u32 $0x3, v0;
	v34 =	vadd.f32 $1.000000000e+00, v24;
	v24 =	vadd.f32 $1.000000000e+00, v27  }
0xa8: {  	v35 =	vimm.f32 $7.680000000e+02;
	v37 =	vadd.f32 $1.000000000e+00, v7;
	v4 =	vsub.f32 v4, v27  }
0xa9: {  	v41 =	vadd.f32 $1.000000000e+00, v9;
	v5 =	vmax.f32 v5, v25;
	v6 =	vsub.f32 v6, v24  }
0xaa: {  	v36 =	vld.idx.msk [tilespmem:v26+s1+$0x0], $0xffff;
	v22 =	vadd.f32 $1.000000000e+00, v21;
	v4 =	vmax.f32 v4, v5;
	[tilespmem:s8+$0x10] =	vst v5;
	v7 =	vsub.f32 v8, v7  }
0xab: {  	v10 =	vsub.f32 v10, v37;
	v26 =	vmax.f32 v6, v4;
	v15 =	vld [tilespmem:$0x1FF70];
	[tilespmem:s8+$0x20] =	vst v4;
	v32 =	vor.u32 $0x1, v11  }
0xac: {  	s10 =	simm.s32 $0xA140;
	v29 =	vld.idx.msk [tilespmem:v29+s1+$0x0], $0xffff;
	v27 =	vadd.f32 $1.000000000e+00, v24;
	[tilespmem:s8+$0x30] =	vst v26;
	v33 =	vor.u32 $0x2, v11;
	v3 =	vmax.f32 v7, v3  }
0xad: {  	v24 =	vadd.s32 $0x4, v12;
	v6 =	vadd.f32 $1.000000000e+00, v37;
	v10 =	vmax.f32 v10, v3;
	[tilespmem:s10+$0xFFFFE800] =	vst v3  }
0xae: {  	v42 =	vadd.f32 $1.000000000e+00, v41;
	v28 =	vadd.f32 $1.000000000e+00, v22;
	v38 =	vor.u32 $0x3, v11;
	[tilespmem:s10+$0xFFFFE810] =	vst v10;
	v31 =	vld.idx.msk [tilespmem:v11+s1+$0x0], $0xffff  }
0xaf: {  	v0 =	vadd.s32 $0x4, v0;
	v4 =	vor.u32 $0x1, v24;
	v49 =	vadd.f32 $1.000000000e+00, v6;
	v53 =	vld [tilespmem:$0x1FF60]  }
0xb0: {  	v5 =	vadd.f32 $1.000000000e+00, v30;
	v37 =	vimm.f32 $-2.999999890e+30;
	v6 =	vsub.f32 v36, v6;
	v8 =	vld.idx.msk [tilespmem:v32+s1+$0x0], $0xffff  }
0xb1: {  	v7 =	vor.u32 $0x2, v24;
	v29 =	vsub.f32 v29, v49;
	v3 =	vor.u32 $0x3, v24;
	v33 =	vld.idx.msk [tilespmem:v33+s1+$0x0], $0xffff  }
0xb2: {  	v25 =	vadd.s32 $0x4, v15;
	v6 =	vmax.f32 v6, v10;
	v52 =	vld.idx.msk [tilespmem:v24+s1+$0x0], $0xffff;
	v10 =	vadd.f32 $1.000000000e+00, v5  }
0xb3: {  	v58 =	vor.u32 $0x1, v15;
	v59 =	vor.u32 $0x2, v15;
	v50 =	vld.idx.msk [tilespmem:v38+s1+$0x0], $0xffff;
	v30 =	vsub.f32 v31, v30  }
0xb4: {  	v60 =	vor.u32 $0x3, v15;
	v4 =	vld.idx.msk [tilespmem:v4+s1+$0x0], $0xffff;
	v31 =	vmax.f32 v29, v6;
	v39 =	vor.u32 $0x1, v53  }
0xb5: {  	[tilespmem:s10+$0xFFFFE820] =	vst v6;
	v6 =	vor.u32 $0x2, v53;
	v51 =	vmax.f32 v30, v44;
	v5 =	vsub.f32 v8, v5  }
0xb6: {  	v7 =	vld.idx.msk [tilespmem:v7+s1+$0x0], $0xffff;
	[tilespmem:s10+$0xFFFFE830] =	vst v31;
	v8 =	vadd.f32 $1.000000000e+00, v10;
	v10 =	vsub.f32 v33, v10;
	v30 =	vadd.s32 $0x4, v13  }
0xb7: {  	v9 =	vsub.f32 v52, v9;
	v40 =	vor.u32 $0x3, v53;
	v3 =	vld.idx.msk [tilespmem:v3+s1+$0x0], $0xffff;
	[tilespmem:s8+$0x800] =	vst v51;
	v5 =	vmax.f32 v5, v51  }
0xb8: {  	v32 =	vadd.f32 $1.000000000e+00, v49;
	v54 =	vsub.f32 v50, v8;
	v56 =	vld.idx.msk [tilespmem:v53+s1+$0x0], $0xffff;
	v10 =	vmax.f32 v10, v5;
	[tilespmem:s8+$0x810] =	vst v5  }
0xb9: {  	v4 =	vsub.f32 v4, v41;
	v2 =	vmax.f32 v9, v2;
	v55 =	vor.u32 $0x1, v30;
	v39 =	vld.idx.msk [tilespmem:v39+s1+$0x0], $0xffff;
	[tilespmem:s8+$0x820] =	vst v10  }
0xba: {  	v9 =	vadd.f32 $1.000000000e+00, v42;
	[tilespmem:s10+$0xFFFFF000] =	vst v2;
	v5 =	vor.u32 $0x2, v30;
	v33 =	vmax.f32 v54, v10;
	v6 =	vld.idx.msk [tilespmem:v6+s1+$0x0], $0xffff  }
0xbb: {  	v7 =	vsub.f32 v7, v42;
	v4 =	vmax.f32 v4, v2;
	v10 =	vadd.f32 $1.000000000e+00, v35;
	[tilespmem:s8+$0x830] =	vst v33;
	v43 =	vld.idx.msk [tilespmem:v30+s1+$0x0], $0xffff  }
0xbc: {  	v2 =	vor.u32 $0x3, v30;
	v38 =	vadd.f32 $1.000000000e+00, v8;
	v3 =	vsub.f32 v3, v9;
	v8 =	vld.idx.msk [tilespmem:v40+s1+$0x0], $0xffff  }
0xbd: {  	[tilespmem:s10+$0xFFFFF010] =	vst v4;
	v4 =	vmax.f32 v7, v4;
	v57 =	vadd.f32 $1.000000000e+00, v10;
	v7 =	vsub.f32 v56, v35  }
0xbe: {  	[tilespmem:s10+$0xFFFFF020] =	vst v4;
	v40 =	vadd.f32 $1.000000000e+00, v9;
	v9 =	vld.idx.msk [tilespmem:v55+s1+$0x0], $0xffff;
	v41 =	vmax.f32 v3, v4;
	v4 =	vsub.f32 v39, v10  }
0xbf: {  	v3 =	vld.idx.msk [tilespmem:v5+s1+$0x0], $0xffff;
	v10 =	vadd.f32 $1.000000000e+00, v57;
	v5 =	vmax.f32 v7, v44;
	v7 =	vadd.f32 $1.000000000e+00, v34  }
0xc0: {  	v29 =	vadd.s32 $0x4, v14;
	[tilespmem:s10+$0xFFFFF030] =	vst v41;
	v6 =	vsub.f32 v6, v57;
	v34 =	vsub.f32 v43, v34  }
0xc1: {  	v45 =	vld.idx.msk [tilespmem:v2+s1+$0x0], $0xffff;
	[tilespmem:s8+$0x1000] =	vst v5;
	v61 =	vmax.f32 v4, v5;
	v8 =	vsub.f32 v8, v10;
	v4 =	vor.u32 $0x1, v29  }
0xc2: {  	v62 =	vadd.f32 $1.000000000e+00, v7;
	v5 =	vld.idx.msk [tilespmem:v15+s1+$0x0], $0xffff;
	v6 =	vmax.f32 v6, v61;
	[tilespmem:s8+$0x1010] =	vst v61;
	v1 =	vmax.f32 v34, v1  }
0xc3: {  	v36 =	vadd.s32 $0x4, v53;
	v35 =	vmax.f32 v8, v6;
	v8 =	vsub.f32 v9, v7;
	v2 =	vld.idx.msk [tilespmem:v58+s1+$0x0], $0xffff;
	[tilespmem:s8+$0x1020] =	vst v6  }
0xc4: {  	v42 =	vmovc v11;
	v7 =	vor.u32 $0x2, v29;
	v9 =	vsub.f32 v3, v62;
	v63 =	vadd.f32 $1.000000000e+00, v62;
	v3 =	vld.idx.msk [tilespmem:v59+s1+$0x0], $0xffff;
	[tilespmem:s8+$0x1030] =	vst v35  }
0xc5: {  	v44 =	vor.u32 $0x3, v29;
	v39 =	vadd.f32 $1.000000000e+00, v10;
	[tilespmem:s10+$0xFFFFF800] =	vst v1;
	v34 =	vmovc v25;
	v10 =	vmax.f32 v8, v1;
	v6 =	vld.idx.msk [tilespmem:v60+s1+$0x0], $0xffff  }
0xc6: {  	s11 =	simm.s32 $0x4;
	v8 =	vld.idx.msk [tilespmem:v29+s1+$0x0], $0xffff;
	v1 =	vadd.f32 $1.000000000e+00, v63;
	v9 =	vmax.f32 v9, v10;
	[tilespmem:s10+$0xFFFFF810] =	vst v10;
	v10 =	vsub.f32 v45, v63  }
.LBB2_2:
0xc7: {  	v45 =	vadd.f32 $1.000000000e+00, v28;
	s11 =	sadd.s32 $0x4, s11;
	v4 =	vld.idx.msk [tilespmem:v4+s1+$0x0], $0xffff;
	v5 =	vsub.f32 v5, v16;
	v42 =	vadd.s32 $0x4, v42;
	s9 =	simm.s32 $0xA8C0;
	v16 =	vmovc v18;
	v18 =	vmovc v28  }
0xc8: {  	v2 =	vsub.f32 v2, v17;
	v17 =	vmov v23;
	p0 =	slt.u32 s11, $0x7C;
	[tilespmem:s10+$0xFFFFF820] =	vst v9;
	v43 =	vmax.f32 v10, v9  }
0xc9: {  	v3 =	vsub.f32 v3, v19;
	v9 =	vadd.f32 $1.000000000e+00, v45;
	v7 =	vld.idx.msk [tilespmem:v7+s1+$0x0], $0xffff;
	[tilespmem:s10+$0xFFFFF830] =	vst v43;
	v5 =	vmax.f32 v5, v37  }
0xca: {  	v10 =	vadd.f32 $1.000000000e+00, v27;
	v44 =	vld.idx.msk [tilespmem:v44+s1+$0x0], $0xffff;
	[tilespmem:s8+$0x1800] =	vst v5;
	v2 =	vmax.f32 v2, v5;
	v5 =	vsub.f32 v6, v20  }
0xcb: {  	v19 =	vmovc v21;
	v23 =	vmovc v45;
	v6 =	vor.u32 $0x1, v0;
	v46 =	vadd.f32 $1.000000000e+00, v9;
	[tilespmem:s8+$0x1810] =	vst v2;
	v2 =	vmax.f32 v3, v2  }
0xcc: {  	v20 =	vmovc v22;
	v3 =	vor.u32 $0x2, v0;
	v8 =	vsub.f32 v8, v27;
	v27 =	vadd.f32 $1.000000000e+00, v10;
	v21 =	vmovc v9;
	[tilespmem:s8+$0x1820] =	vst v2  }
0xcd: {  	v4 =	vsub.f32 v4, v10;
	v37 =	vmax.f32 v5, v2;
	v28 =	vadd.f32 $1.000000000e+00, v46;
	v22 =	vmovc v46  }
0xce: {  	v2 =	vor.u32 $0x3, v0;
	v5 =	vmax.f32 v8, v26;
	v8 =	vadd.f32 $1.000000000e+00, v27;
	[tilespmem:s8+$0x1830] =	vst v37;
	s8 =	smov.u32 s10  }
0xcf: {  	v4 =	vmax.f32 v4, v5;
	v9 =	vld.idx.msk [tilespmem:v0+s1+$0x0], $0xffff;
	[tilespmem:s10+$0x0] =	vst v5;
	v5 =	vsub.f32 v7, v27;
	v7 =	vor.u32 $0x3, v42  }
0xd0: {  	v45 =	vor.u32 $0x2, v42;
	v26 =	vsub.f32 v44, v8;
	v27 =	vadd.f32 $1.000000000e+00, v8;
	v10 =	vld.idx.msk [tilespmem:v42+s1+$0x0], $0xffff;
	[tilespmem:s10+$0x10] =	vst v4  }
0xd1: {  	v8 =	vor.u32 $0x1, v42;
	v6 =	vld.idx.msk [tilespmem:v6+s1+$0x0], $0xffff;
	v4 =	vmax.f32 v5, v4  }
0xd2: {  	v3 =	vld.idx.msk [tilespmem:v3+s1+$0x0], $0xffff;
	[tilespmem:s10+$0x20] =	vst v4;
	v26 =	vmax.f32 v26, v4  }
0xd3: {  	v4 =	vadd.f32 $1.000000000e+00, v32;
	v2 =	vld.idx.msk [tilespmem:v2+s1+$0x0], $0xffff;
	[tilespmem:s10+$0x30] =	vst v26  }
0xd4: {  	v24 =	vadd.s32 $0x4, v24;
	v5 =	vld.idx.msk [tilespmem:v7+s1+$0x0], $0xffff  }
0xd5: {  	v25 =	vadd.s32 $0x4, v25;
	v44 =	vadd.f32 $1.000000000e+00, v38;
	v7 =	vadd.f32 $1.000000000e+00, v4;
	v45 =	vld.idx.msk [tilespmem:v45+s1+$0x0], $0xffff  }
0xd6: {  	v46 =	vor.u32 $0x1, v24;
	v9 =	vsub.f32 v9, v32;
	v10 =	vsub.f32 v10, v38;
	v8 =	vld.idx.msk [tilespmem:v8+s1+$0x0], $0xffff  }
0xd7: {  	s10 =	sadd.s32 $0x40, s10;
	v4 =	vsub.f32 v6, v4;
	v6 =	vor.u32 $0x2, v24;
	v32 =	vadd.f32 $1.000000000e+00, v7  }
0xd8: {  	v9 =	vmax.f32 v9, v31;
	v3 =	vsub.f32 v3, v7;
	v7 =	vmax.f32 v10, v33  }
0xd9: {  	v4 =	vmax.f32 v4, v9;
	v2 =	vsub.f32 v2, v32;
	[tilespmem:s10+$0xFFFFE800] =	vst v9;
	v9 =	vor.u32 $0x3, v24  }
0xda: {  	v32 =	vadd.f32 $1.000000000e+00, v32;
	v3 =	vmax.f32 v3, v4;
	v10 =	vld.idx.msk [tilespmem:v24+s1+$0x0], $0xffff;
	[tilespmem:s10+$0xFFFFE810] =	vst v4;
	v4 =	vadd.f32 $1.000000000e+00, v44  }
0xdb: {  	v29 =	vadd.s32 $0x4, v29;
	v31 =	vmax.f32 v2, v3;
	v2 =	vor.u32 $0x1, v36;
	v46 =	vld.idx.msk [tilespmem:v46+s1+$0x0], $0xffff;
	[tilespmem:s10+$0xFFFFE820] =	vst v3  }
0xdc: {  	v3 =	vld.idx.msk [tilespmem:v6+s1+$0x0], $0xffff;
	[tilespmem:s8+$0x800] =	vst v7;
	v6 =	vsub.f32 v8, v44;
	v8 =	vor.u32 $0x2, v36;
	v33 =	vadd.f32 $1.000000000e+00, v4  }
0xdd: {  	v30 =	vadd.s32 $0x4, v30;
	v4 =	vsub.f32 v45, v4;
	v45 =	vor.u32 $0x3, v36;
	[tilespmem:s10+$0xFFFFE830] =	vst v31;
	v44 =	vld.idx.msk [tilespmem:v36+s1+$0x0], $0xffff  }
0xde: {  	v47 =	vadd.f32 $1.000000000e+00, v40;
	v9 =	vld.idx.msk [tilespmem:v9+s1+$0x0], $0xffff;
	v6 =	vmax.f32 v6, v7;
	v5 =	vsub.f32 v5, v33  }
0xdf: {  	v7 =	vor.u32 $0x1, v30;
	v38 =	vadd.f32 $1.000000000e+00, v33;
	[tilespmem:s8+$0x810] =	vst v6;
	v4 =	vmax.f32 v4, v6  }
0xe0: {  	v6 =	vsub.f32 v10, v40;
	v10 =	vadd.f32 $1.000000000e+00, v47;
	v2 =	vld.idx.msk [tilespmem:v2+s1+$0x0], $0xffff;
	[tilespmem:s8+$0x820] =	vst v4;
	v33 =	vmax.f32 v5, v4  }
0xe1: {  	v4 =	vsub.f32 v46, v47;
	v5 =	vor.u32 $0x2, v30;
	v46 =	vadd.f32 $1.000000000e+00, v39;
	v8 =	vld.idx.msk [tilespmem:v8+s1+$0x0], $0xffff;
	[tilespmem:s8+$0x830] =	vst v33  }
0xe2: {  	v6 =	vmax.f32 v6, v41;
	v3 =	vsub.f32 v3, v10;
	v10 =	vadd.f32 $1.000000000e+00, v10;
	v45 =	vld.idx.msk [tilespmem:v45+s1+$0x0], $0xffff  }
0xe3: {  	v4 =	vmax.f32 v4, v6;
	v47 =	vadd.f32 $1.000000000e+00, v46;
	[tilespmem:s10+$0xFFFFF000] =	vst v6;
	v6 =	vor.u32 $0x3, v30  }
0xe4: {  	v3 =	vmax.f32 v3, v4;
	v40 =	vadd.f32 $1.000000000e+00, v10;
	v48 =	vld.idx.msk [tilespmem:v30+s1+$0x0], $0xffff;
	[tilespmem:s10+$0xFFFFF010] =	vst v4;
	v4 =	vsub.f32 v9, v10  }
0xe5: {  	v9 =	vsub.f32 v44, v39;
	v10 =	vor.u32 $0x1, v34;
	v39 =	vor.u32 $0x2, v34;
	v7 =	vld.idx.msk [tilespmem:v7+s1+$0x0], $0xffff;
	[tilespmem:s10+$0xFFFFF020] =	vst v3  }
0xe6: {  	v2 =	vsub.f32 v2, v46;
	v46 =	vadd.f32 $1.000000000e+00, v47;
	v44 =	vld.idx.msk [tilespmem:v5+s1+$0x0], $0xffff;
	v41 =	vmax.f32 v4, v3  }
0xe7: {  	v3 =	vmax.f32 v9, v35;
	v8 =	vsub.f32 v8, v47;
	v9 =	vor.u32 $0x3, v34;
	[tilespmem:s10+$0xFFFFF030] =	vst v41  }
0xe8: {  	v47 =	vadd.f32 $1.000000000e+00, v1;
	v2 =	vmax.f32 v2, v3;
	v49 =	vld.idx.msk [tilespmem:v6+s1+$0x0], $0xffff;
	[tilespmem:s8+$0x1000] =	vst v3;
	v3 =	vsub.f32 v45, v46  }
0xe9: {  	v0 =	vadd.s32 $0x4, v0;
	v4 =	vor.u32 $0x1, v29;
	v6 =	vmax.f32 v8, v2;
	v5 =	vld.idx.msk [tilespmem:v34+s1+$0x0], $0xffff;
	[tilespmem:s8+$0x1010] =	vst v2;
	v34 =	vmovc v25  }
.Ltmp0:
0xea: {  	v8 =	vadd.f32 $1.000000000e+00, v47;
	v1 =	vsub.f32 v48, v1;
	v2 =	vld.idx.msk [tilespmem:v10+s1+$0x0], $0xffff;
	[tilespmem:s8+$0x1020] =	vst v6;
	v35 =	vmax.f32 v3, v6;
	(pc) =	sbr.rel @p0 .LBB2_2-.Ltmp0, $4  }
0xeb: {  	v10 =	vsub.f32 v7, v47;
	v7 =	vor.u32 $0x2, v29;
	v3 =	vld.idx.msk [tilespmem:v39+s1+$0x0], $0xffff;
	[tilespmem:s8+$0x1030] =	vst v35;
	v39 =	vadd.f32 $1.000000000e+00, v46  }
0xec: {  	v45 =	vadd.f32 $1.000000000e+00, v8;
	v1 =	vmax.f32 v1, v43;
	v43 =	vsub.f32 v44, v8;
	v6 =	vld.idx.msk [tilespmem:v9+s1+$0x0], $0xffff  }
0xed: {  	v36 =	vadd.s32 $0x4, v36;
	v44 =	vor.u32 $0x3, v29;
	[tilespmem:s10+$0xFFFFF800] =	vst v1;
	v1 =	vmax.f32 v10, v1  }
0xee: {  	v10 =	vsub.f32 v49, v45;
	v8 =	vld.idx.msk [tilespmem:v29+s1+$0x0], $0xffff;
	[tilespmem:s10+$0xFFFFF810] =	vst v1;
	v9 =	vmax.f32 v43, v1;
	v1 =	vadd.f32 $1.000000000e+00, v45  }
0xef: {  	_ =	sdelay $0x3  }
0xf0: {  	v0 =	vld.idx.msk [tilespmem:v4+s1+$0x0], $0xffff;
	[tilespmem:s10+$0xFFFFF820] =	vst v9;
	v1 =	vmax.f32 v10, v9  }
0xf1: {  	v4 =	vld.idx.msk [tilespmem:v7+s1+$0x0], $0xffff;
	[tilespmem:s10+$0xFFFFF830] =	vst v1;
	v1 =	vadd.f32 $1.000000000e+00, v27  }
0xf2: {  	v7 =	vld.idx.msk [tilespmem:v44+s1+$0x0], $0xffff  }
0xf3: {  	v9 =	vadd.s32 $0x4, v42;
	v10 =	vadd.f32 $1.000000000e+00, v1  }
0xf4: {  	v24 =	vor.u32 $0x1, v9;
	v8 =	vsub.f32 v8, v27  }
0xf5: {  	v25 =	vor.u32 $0x2, v9;
	v0 =	vsub.f32 v0, v1;
	v1 =	vadd.f32 $1.000000000e+00, v10  }
0xf6: {  	v8 =	vmax.f32 v8, v26;
	v4 =	vsub.f32 v4, v10  }
0xf7: {  	v10 =	vor.u32 $0x3, v9;
	[tilespmem:s10+$0x0] =	vst v8;
	v0 =	vmax.f32 v0, v8;
	v1 =	vsub.f32 v7, v1  }
0xf8: {  	v7 =	vld.idx.msk [tilespmem:v9+s1+$0x0], $0xffff;
	[tilespmem:s10+$0x10] =	vst v0;
	v0 =	vmax.f32 v4, v0  }
0xf9: {  	[tilespmem:s10+$0x20] =	vst v0;
	v0 =	vmax.f32 v1, v0;
	v1 =	vld.idx.msk [tilespmem:v24+s1+$0x0], $0xffff  }
0xfa: {  	v4 =	vld.idx.msk [tilespmem:v25+s1+$0x0], $0xffff  }
0xfb: {  	[tilespmem:s10+$0x30] =	vst v0;
	v0 =	vadd.f32 $1.000000000e+00, v38  }
0xfc: {  	v8 =	vld.idx.msk [tilespmem:v10+s1+$0x0], $0xffff  }
0xfd: {  	v10 =	vor.u32 $0x1, v36;
	v9 =	vadd.f32 $1.000000000e+00, v0;
	v7 =	vsub.f32 v7, v38  }
0xfe: {  	v0 =	vsub.f32 v1, v0;
	v1 =	vor.u32 $0x2, v36  }
0xff: {  	v24 =	vadd.f32 $1.000000000e+00, v9;
	v7 =	vmax.f32 v7, v33;
	v4 =	vsub.f32 v4, v9  }
0x100: {  	v9 =	vor.u32 $0x3, v36;
	[tilespmem:s10+$0x800] =	vst v7;
	v0 =	vmax.f32 v0, v7  }
0x101: {  	v7 =	vsub.f32 v8, v24;
	v8 =	vld.idx.msk [tilespmem:v36+s1+$0x0], $0xffff;
	[tilespmem:s10+$0x810] =	vst v0;
	v0 =	vmax.f32 v4, v0  }
0x102: {  	v4 =	vld.idx.msk [tilespmem:v10+s1+$0x0], $0xffff;
	[tilespmem:s10+$0x820] =	vst v0  }
0x103: {  	v0 =	vmax.f32 v7, v0;
	v1 =	vld.idx.msk [tilespmem:v1+s1+$0x0], $0xffff  }
0x104: {  	v7 =	vadd.f32 $1.000000000e+00, v39;
	[tilespmem:s10+$0x830] =	vst v0  }
0x105: {  	v0 =	vld.idx.msk [tilespmem:v9+s1+$0x0], $0xffff  }
0x106: {  	v10 =	vor.u32 $0x1, v34;
	v9 =	vadd.f32 $1.000000000e+00, v7;
	v8 =	vsub.f32 v8, v39  }
0x107: {  	v24 =	vor.u32 $0x2, v34;
	v4 =	vsub.f32 v4, v7  }
0x108: {  	v7 =	vadd.f32 $1.000000000e+00, v9;
	v8 =	vmax.f32 v8, v35;
	v1 =	vsub.f32 v1, v9  }
0x109: {  	[tilespmem:s10+$0x1000] =	vst v8;
	v4 =	vmax.f32 v4, v8  }
0x10a: {  	v0 =	vsub.f32 v0, v7;
	v7 =	vld.idx.msk [tilespmem:v34+s1+$0x0], $0xffff;
	[tilespmem:s10+$0x1010] =	vst v4;
	v1 =	vmax.f32 v1, v4  }
0x10b: {  	v4 =	vsub.f32 v5, v16;
	v5 =	vld.idx.msk [tilespmem:v10+s1+$0x0], $0xffff;
	[tilespmem:s10+$0x1020] =	vst v1  }
0x10c: {  	v0 =	vmax.f32 v0, v1;
	v1 =	vsub.f32 v2, v17;
	v2 =	vld.idx.msk [tilespmem:v24+s1+$0x0], $0xffff  }
0x10d: {  	v3 =	vsub.f32 v3, v19;
	[tilespmem:s10+$0x1030] =	vst v0;
	v0 =	vmax.f32 v4, v37  }
0x10e: {  	v9 =	vor.u32 $0x3, v34;
	[tilespmem:s8+$0x1800] =	vst v0;
	v0 =	vmax.f32 v1, v0;
	v1 =	vsub.f32 v6, v20  }
0x10f: {  	[tilespmem:s8+$0x1810] =	vst v0;
	v0 =	vmax.f32 v3, v0;
	v3 =	vsub.f32 v7, v18  }
0x110: {  	[tilespmem:s8+$0x1820] =	vst v0;
	v0 =	vmax.f32 v1, v0;
	v1 =	vsub.f32 v5, v23  }
0x111: {  	[tilespmem:s8+$0x1830] =	vst v0;
	v0 =	vmax.f32 v3, v0;
	v2 =	vsub.f32 v2, v21  }
0x112: {  	[tilespmem:s10+$0x1800] =	vst v0;
	v0 =	vmax.f32 v1, v0  }
0x113: {  	v4 =	vld.idx.msk [tilespmem:v9+s1+$0x0], $0xffff;
	[tilespmem:s10+$0x1810] =	vst v0;
	v0 =	vmax.f32 v2, v0  }
0x114: {  	[tilespmem:s10+$0x1820] =	vst v0  }
0x115: {  	v11 =	vld [tilespmem:$0x1FF80];
	_ =	sdelay $0x2  }
0x116: {  	v1 =	vsub.f32 v4, v22;
	_ =	sdelay $0x1  }
0x117: {  	v0 =	vmax.f32 v1, v0;
	v1 =	vadd.s32 $0xFFFFFFFF, v11  }
0x118: {  	[tilespmem:s10+$0x1830] =	vst v0  }
0x119: {  	v2 =	vld [tilespmem:s9+$0xFFFFE830]  }
0x11a: {  	v3 =	vadd.s32 $0xFFFFFFFE, v11;
	v0 =	vld.idx.msk [tilespmem:v11+s1+$0x0], $0xffff  }
0x11b: {  	v6 =	vld [tilespmem:s9+$0xFFFFE820]  }
0x11c: {  	v4 =	vld.idx.msk [tilespmem:v1+s1+$0x0], $0xffff  }
0x11d: {  	v12 =	vld [tilespmem:$0x1FF90];
	v7 =	vadd.s32 $0xFFFFFFFD, v11  }
0x11e: {  	v5 =	vimm.f32 $1.270000000e+02  }
0x11f: {  	v63 =	vimm.f32 $-2.999999890e+30;
	v8 =	vld.idx.msk [tilespmem:v3+s1+$0x0], $0xffff;
	v0 =	vsub.f32 v0, v5;
	v5 =	vadd.f32 $-1.000000000e+00, v5  }
0x120: {  	v10 =	vld [tilespmem:s9+$0xFFFFE810];
	v2 =	vmax.f32 v63, v2  }
0x121: {  	v2 =	vsub.f32 v2, v0;
	v0 =	vmax.f32 v63, v0;
	v4 =	vsub.f32 v4, v5  }
0x122: {  	v16 =	vld.idx.msk [tilespmem:v7+s1+$0x0], $0xffff;
	v5 =	vadd.f32 $-1.000000000e+00, v5;
	v6 =	vmax.f32 v0, v6  }
0x123: {  	v17 =	vld [tilespmem:s9+$0xFFFFE800];
	v9 =	vadd.s32 $0xFFFFFFFF, v12;
	v2 =	vmax.f32 v2, $0.0e+00;
	v6 =	vsub.f32 v6, v4  }
0x124: {  	v0 =	vmax.f32 v0, v4;
	[tilespmem:v11+s6+$0x0] =	vst.idx.msk $0xffff, v2;
	v2 =	vsub.f32 v8, v5  }
0x125: {  	v25 =	vadd.f32 $-1.000000000e+00, v5;
	v10 =	vmax.f32 v0, v10;
	v8 =	vld.idx.msk [tilespmem:v12+s1+$0x0], $0xffff;
	v4 =	vmax.f32 v6, $0.0e+00  }
0x126: {  	v5 =	vld [tilespmem:s9+$0xFFFFF030];
	[tilespmem:v1+s6+$0x0] =	vst.idx.msk $0xffff, v4;
	v1 =	vmax.f32 v0, v2;
	v0 =	vsub.f32 v10, v2  }
0x127: {  	v6 =	vadd.s32 $0xFFFFFFFE, v12;
	v2 =	vsub.f32 v16, v25  }
0x128: {  	v4 =	vld.idx.msk [tilespmem:v9+s1+$0x0], $0xffff;
	v17 =	vmax.f32 v1, v17;
	v0 =	vmax.f32 v0, $0.0e+00  }
0x129: {  	v10 =	vimm.f32 $2.550000000e+02;
	v16 =	vadd.s32 $0xFFFFFFFD, v12;
	v18 =	vld [tilespmem:s9+$0xFFFFF020];
	v17 =	vsub.f32 v17, v2;
	[tilespmem:v3+s6+$0x0] =	vst.idx.msk $0xffff, v0  }
0x12a: {  	v8 =	vsub.f32 v8, v10;
	v13 =	vld [tilespmem:$0x1FFA0]  }
0x12b: {  	v10 =	vadd.f32 $-1.000000000e+00, v10;
	v0 =	vmax.f32 v63, v5;
	v5 =	vmax.f32 v17, $0.0e+00  }
0x12c: {  	v3 =	vld.idx.msk [tilespmem:v6+s1+$0x0], $0xffff;
	[tilespmem:v7+s6+$0x0] =	vst.idx.msk $0xffff, v5  }
0x12d: {  	v5 =	vld [tilespmem:s9+$0xFFFFF010];
	v0 =	vsub.f32 v0, v8;
	v4 =	vsub.f32 v4, v10;
	v7 =	vmax.f32 v63, v8  }
0x12e: {  	v8 =	vadd.f32 $-1.000000000e+00, v10;
	v10 =	vld.idx.msk [tilespmem:v16+s1+$0x0], $0xffff;
	v18 =	vmax.f32 v7, v18  }
0x12f: {  	v19 =	vld [tilespmem:s9+$0xFFFFF000];
	v0 =	vmax.f32 v0, $0.0e+00;
	v18 =	vsub.f32 v18, v4;
	v17 =	vadd.s32 $0xFFFFFFFF, v13  }
0x130: {  	v24 =	vadd.f32 $-1.000000000e+00, v8;
	[tilespmem:v12+s6+$0x0] =	vst.idx.msk $0xffff, v0  }
0x131: {  	v4 =	vmax.f32 v7, v4;
	v3 =	vsub.f32 v3, v8;
	v7 =	vmax.f32 v18, $0.0e+00;
	v8 =	vld [tilespmem:s9+$0xFFFFF830]  }
0x132: {  	v18 =	vadd.s32 $0xFFFFFFFE, v13;
	v5 =	vmax.f32 v4, v5;
	[tilespmem:v9+s6+$0x0] =	vst.idx.msk $0xffff, v7;
	v0 =	vld.idx.msk [tilespmem:v13+s1+$0x0], $0xffff  }
0x133: {  	v4 =	vmax.f32 v4, v3;
	v9 =	vsub.f32 v10, v24;
	v3 =	vsub.f32 v5, v3  }
0x134: {  	v19 =	vmax.f32 v4, v19;
	v7 =	vld.idx.msk [tilespmem:v17+s1+$0x0], $0xffff  }
0x135: {  	v10 =	vadd.s32 $0xFFFFFFFD, v13;
	v20 =	vld [tilespmem:s9+$0xFFFFF820];
	v19 =	vsub.f32 v19, v9;
	v3 =	vmax.f32 v3, $0.0e+00  }
0x136: {  	v5 =	vimm.f32 $3.830000000e+02;
	[tilespmem:v6+s6+$0x0] =	vst.idx.msk $0xffff, v3;
	v3 =	vmax.f32 v63, v8  }
0x137: {  	v6 =	vmax.f32 v19, $0.0e+00;
	v8 =	vld.idx.msk [tilespmem:v18+s1+$0x0], $0xffff;
	v0 =	vsub.f32 v0, v5;
	v5 =	vadd.f32 $-1.000000000e+00, v5  }
0x138: {  	v19 =	vld [tilespmem:s9+$0xFFFFF810];
	[tilespmem:v16+s6+$0x0] =	vst.idx.msk $0xffff, v6  }
0x139: {  	v14 =	vld [tilespmem:$0x1FFB0];
	v3 =	vsub.f32 v3, v0;
	v6 =	vmax.f32 v63, v0;
	v7 =	vsub.f32 v7, v5  }
0x13a: {  	v16 =	vld.idx.msk [tilespmem:v10+s1+$0x0], $0xffff;
	v0 =	vmax.f32 v6, v20  }
0x13b: {  	v5 =	vadd.f32 $-1.000000000e+00, v5;
	v20 =	vld [tilespmem:s9+$0xFFFFF800];
	v3 =	vmax.f32 v3, $0.0e+00;
	v21 =	vsub.f32 v0, v7  }
0x13c: {  	[tilespmem:v13+s6+$0x0] =	vst.idx.msk $0xffff, v3;
	v3 =	vmax.f32 v6, v7  }
0x13d: {  	v7 =	vadd.f32 $-1.000000000e+00, v5;
	v5 =	vsub.f32 v8, v5;
	v8 =	vmax.f32 v21, $0.0e+00  }
0x13e: {  	v22 =	vadd.s32 $0xFFFFFFFF, v14;
	v19 =	vmax.f32 v3, v19;
	[tilespmem:v17+s6+$0x0] =	vst.idx.msk $0xffff, v8  }
0x13f: {  	v8 =	vsub.f32 v19, v5;
	v5 =	vmax.f32 v3, v5;
	v29 =	vsub.f32 v16, v7  }
0x140: {  	v21 =	vld [tilespmem:s9+$0x30];
	v19 =	vmax.f32 v5, v20  }
0x141: {  	v27 =	vadd.s32 $0xFFFFFFFE, v14;
	v6 =	vld.idx.msk [tilespmem:v14+s1+$0x0], $0xffff;
	v20 =	vsub.f32 v19, v29  }
0x142: {  	v17 =	vld [tilespmem:s9+$0x20];
	v8 =	vmax.f32 v8, $0.0e+00  }
0x143: {  	v30 =	vadd.s32 $0xFFFFFFFD, v14;
	v3 =	vld.idx.msk [tilespmem:v22+s1+$0x0], $0xffff;
	[tilespmem:v18+s6+$0x0] =	vst.idx.msk $0xffff, v8;
	v20 =	vmax.f32 v20, $0.0e+00  }
0x144: {  	v15 =	vimm.f32 $1.023000000e+03;
	v28 =	vld [tilespmem:$0x1FFF0];
	[tilespmem:v10+s6+$0x0] =	vst.idx.msk $0xffff, v20  }
0x145: {  	v16 =	vimm.f32 $5.110000000e+02;
	v19 =	vadd.f32 $-1.000000000e+00, v15;
	v15 =	vld [tilespmem:$0x1FFC0]  }
0x146: {  	v23 =	vadd.f32 $-1.000000000e+00, v16;
	v18 =	vld.idx.msk [tilespmem:v27+s1+$0x0], $0xffff  }
0x147: {  	v32 =	vld [tilespmem:s9+$0x10];
	v6 =	vsub.f32 v6, v16  }
0x148: {  	v8 =	vmax.f32 v63, v21;
	v20 =	vadd.f32 $-1.000000000e+00, v19;
	v10 =	vadd.f32 $-1.000000000e+00, v23;
	v47 =	vld.idx.msk [tilespmem:v30+s1+$0x0], $0xffff  }
0x149: {  	v8 =	vsub.f32 v8, v6;
	v6 =	vmax.f32 v63, v6;
	v3 =	vsub.f32 v3, v23  }
0x14a: {  	v49 =	vld [tilespmem:s9+$0x0];
	v50 =	vadd.f32 $-1.000000000e+00, v10;
	v17 =	vmax.f32 v6, v17  }
0x14b: {  	v23 =	vmovc v20;
	v20 =	vadd.f32 $-1.000000000e+00, v20;
	v8 =	vmax.f32 v8, $0.0e+00;
	v21 =	vsub.f32 v17, v3  }
0x14c: {  	v3 =	vmax.f32 v6, v3;
	v48 =	vadd.s32 $0xFFFFFFFF, v15;
	[tilespmem:v14+s6+$0x0] =	vst.idx.msk $0xffff, v8;
	v8 =	vsub.f32 v18, v10  }
0x14d: {  	v18 =	vmax.f32 v3, v32;
	v33 =	vsub.f32 v47, v50;
	v10 =	vmax.f32 v21, $0.0e+00;
	v6 =	vld.idx.msk [tilespmem:v15+s1+$0x0], $0xffff;
	[tilespmem:$0x1FF00] =	vst v20  }
0x14e: {  	[tilespmem:v22+s6+$0x0] =	vst.idx.msk $0xffff, v10;
	v10 =	vsub.f32 v18, v8;
	v8 =	vmax.f32 v3, v8  }
0x14f: {  	v3 =	vmax.f32 v8, v49  }
0x150: {  	v60 =	vsub.f32 v3, v33  }
0x151: {  	v56 =	vadd.s32 $0xFFFFFFFE, v15;
	v57 =	vld [tilespmem:s9+$0x830];
	v10 =	vmax.f32 v10, $0.0e+00  }
0x152: {  	v40 =	vadd.f32 $-1.000000000e+00, v24;
	v20 =	vadd.f32 $-1.000000000e+00, v20;
	v58 =	vld.idx.msk [tilespmem:v48+s1+$0x0], $0xffff;
	[tilespmem:v27+s6+$0x0] =	vst.idx.msk $0xffff, v10;
	v24 =	vmax.f32 v60, $0.0e+00  }
0x153: {  	v31 =	vimm.f32 $7.670000000e+02;
	v26 =	vimm.f32 $6.390000000e+02;
	v17 =	vadd.s32 $0xFFFFFFFC, v28;
	v59 =	vld [tilespmem:s9+$0x820];
	[tilespmem:v30+s6+$0x0] =	vst.idx.msk $0xffff, v24  }
0x154: {  	v43 =	vadd.s32 $0xFFFFFFFD, v15;
	v18 =	vmovc v17;
	v52 =	vmovc v20;
	v22 =	vadd.f32 $-1.000000000e+00, v20;
	v20 =	vadd.s32 $0xFFFFFFFD, v17;
	v17 =	vld [tilespmem:$0x1FFD0]  }
0x155: {  	v45 =	vadd.s32 $0xFFFFFFFC, v11;
	v3 =	vmax.f32 v1, v2;
	v1 =	vsub.f32 v6, v26  }
0x156: {  	v41 =	vadd.f32 $-1.000000000e+00, v40;
	v2 =	vadd.f32 $-1.000000000e+00, v26;
	v10 =	vld.idx.msk [tilespmem:v56+s1+$0x0], $0xffff;
	v6 =	vmax.f32 v63, v57  }
0x157: {  	v42 =	vmax.f32 v4, v9;
	v36 =	vadd.f32 $-1.000000000e+00, v7;
	v4 =	vld [tilespmem:s9+$0x810];
	v6 =	vsub.f32 v6, v1  }
0x158: {  	v38 =	vmax.f32 v5, v29;
	v1 =	vmax.f32 v63, v1;
	v7 =	vsub.f32 v58, v2  }
0x159: {  	v9 =	vld.idx.msk [tilespmem:v43+s1+$0x0], $0xffff;
	v2 =	vadd.f32 $-1.000000000e+00, v2;
	v24 =	vmax.f32 v1, v59;
	v6 =	vmax.f32 v6, $0.0e+00  }
0x15a: {  	v0 =	vimm.f32 $8.950000000e+02;
	v26 =	vld [tilespmem:s9+$0x800];
	v1 =	vmax.f32 v1, v7;
	[tilespmem:v15+s6+$0x0] =	vst.idx.msk $0xffff, v6;
	v6 =	vsub.f32 v24, v7  }
0x15b: {  	v24 =	vadd.f32 $-1.000000000e+00, v2;
	v2 =	vsub.f32 v10, v2;
	v10 =	vld [tilespmem:s9+$0x1030];
	v5 =	vadd.s32 $0xFFFFFFFF, v17  }
0x15c: {  	v34 =	vadd.s32 $0xFFFFFFFC, v14;
	v16 =	vadd.s32 $0xFFFFFFFD, v28;
	v4 =	vmax.f32 v1, v4;
	v29 =	vld.idx.msk [tilespmem:v17+s1+$0x0], $0xffff  }
0x15d: {  	v37 =	vadd.s32 $0xFFFFFFFF, v28;
	v7 =	vadd.s32 $0xFFFFFFFE, v17;
	v4 =	vsub.f32 v4, v2  }
0x15e: {  	v6 =	vmax.f32 v6, $0.0e+00;
	v1 =	vmax.f32 v1, v2;
	v2 =	vsub.f32 v9, v24  }
0x15f: {  	v32 =	vadd.f32 $-1.000000000e+00, v50;
	[tilespmem:v48+s6+$0x0] =	vst.idx.msk $0xffff, v6;
	v6 =	vmax.f32 v1, v26;
	v4 =	vmax.f32 v4, $0.0e+00  }
0x160: {  	v30 =	vadd.f32 $-1.000000000e+00, v31;
	v47 =	vadd.s32 $0xFFFFFFFD, v17;
	v6 =	vsub.f32 v6, v2;
	[tilespmem:v56+s6+$0x0] =	vst.idx.msk $0xffff, v4;
	v9 =	vld.idx.msk [tilespmem:v5+s1+$0x0], $0xffff  }
0x161: {  	v4 =	vsub.f32 v29, v31;
	v31 =	vmax.f32 v1, v2;
	v2 =	vmax.f32 v63, v10;
	v63 =	vld [tilespmem:$0x1FFE0]  }
0x162: {  	v35 =	vmax.f32 v8, v33;
	v46 =	vadd.s32 $0xFFFFFFFC, v18;
	v27 =	vadd.f32 $-1.000000000e+00, v24;
	v8 =	vld [tilespmem:s9+$0x1020]  }
0x163: {  	v24 =	vadd.s32 $0xFFFFFFFC, v17;
	v48 =	vadd.f32 $-1.000000000e+00, v22;
	v6 =	vmax.f32 v6, $0.0e+00;
	v1 =	vld.idx.msk [tilespmem:v7+s1+$0x0], $0xffff  }
0x164: {  	v26 =	vadd.s32 $0xFFFFFFFC, v15;
	v15 =	vimm.f32 $-2.999999890e+30;
	v61 =	vld [tilespmem:s9+$0x1010];
	[tilespmem:v43+s6+$0x0] =	vst.idx.msk $0xffff, v6;
	v2 =	vsub.f32 v2, v4  }
0x165: {  	v49 =	vadd.f32 $-1.000000000e+00, v48;
	v10 =	vadd.f32 $-1.000000000e+00, v30;
	v43 =	vadd.s32 $0xFFFFFFFC, v13;
	v6 =	vld.idx.msk [tilespmem:v47+s1+$0x0], $0xffff  }
0x166: {  	v53 =	vadd.s32 $0xFFFFFFFD, v43;
	v9 =	vsub.f32 v9, v30;
	v30 =	vld [tilespmem:s9+$0x1000];
	v2 =	vmax.f32 v2, $0.0e+00  }
0x167: {  	v4 =	vmax.f32 v15, v4;
	v62 =	vadd.f32 $-1.000000000e+00, v10;
	v39 =	vadd.s32 $0xFFFFFFFF, v63;
	[tilespmem:v17+s6+$0x0] =	vst.idx.msk $0xffff, v2  }
0x168: {  	v2 =	vmax.f32 v4, v8;
	v1 =	vsub.f32 v1, v10;
	v4 =	vmax.f32 v4, v9  }
0x169: {  	v21 =	vadd.s32 $0xFFFFFFFE, v63;
	v2 =	vsub.f32 v2, v9;
	v10 =	vmax.f32 v4, v61;
	v8 =	vld.idx.msk [tilespmem:v63+s1+$0x0], $0xffff  }
0x16a: {  	v9 =	vld [tilespmem:s9+$0x1830];
	v6 =	vsub.f32 v6, v62;
	v4 =	vmax.f32 v4, v1;
	v1 =	vsub.f32 v10, v1  }
0x16b: {  	s8 =	simm.s32 $0xA880;
	v56 =	vadd.s32 $0xFFFFFFFF, v43;
	v2 =	vmax.f32 v2, $0.0e+00;
	v10 =	vmax.f32 v4, v30  }
0x16c: {  	v55 =	vadd.s32 $0xFFFFFFFE, v43;
	[tilespmem:v5+s6+$0x0] =	vst.idx.msk $0xffff, v2;
	v1 =	vmax.f32 v1, $0.0e+00;
	v2 =	vsub.f32 v10, v6;
	v10 =	vld [tilespmem:s8+$0xFFFFE830]  }
0x16d: {  	v29 =	vadd.f32 $-1.000000000e+00, v62;
	v50 =	vadd.s32 $0xFFFFFFFD, v63;
	v62 =	vadd.s32 $0xFFFFFFFF, v45;
	v5 =	vld.idx.msk [tilespmem:v39+s1+$0x0], $0xffff;
	[tilespmem:v7+s6+$0x0] =	vst.idx.msk $0xffff, v1  }
0x16e: {  	v30 =	vmax.f32 v4, v6;
	v59 =	vld.idx.msk [tilespmem:v21+s1+$0x0], $0xffff;
	v4 =	vsub.f32 v8, v0;
	v0 =	vadd.f32 $-1.000000000e+00, v0  }
0x16f: {  	v44 =	vadd.s32 $0xFFFFFFFC, v63;
	v6 =	vmax.f32 v15, v9;
	v2 =	vmax.f32 v2, $0.0e+00;
	v8 =	vld [tilespmem:s9+$0x1820]  }
0x170: {  	v9 =	vld.idx.msk [tilespmem:v45+s1+$0x0], $0xffff;
	[tilespmem:v47+s6+$0x0] =	vst.idx.msk $0xffff, v2;
	v2 =	vadd.s32 $0xFFFFFFFE, v45;
	v47 =	vadd.s32 $0xFFFFFFFC, v12;
	v51 =	vadd.f32 $-1.000000000e+00, v0  }
0x171: {  	v54 =	vld [tilespmem:s9+$0x1810];
	v10 =	vmax.f32 v3, v10;
	v6 =	vsub.f32 v6, v4;
	v4 =	vmax.f32 v15, v4  }
0x172: {  	v1 =	vld.idx.msk [tilespmem:v50+s1+$0x0], $0xffff;
	v57 =	vsub.f32 v5, v0;
	v5 =	vadd.s32 $0xFFFFFFFD, v45;
	v58 =	vadd.f32 $-1.000000000e+00, v51  }
0x173: {  	v61 =	vld.idx.msk [tilespmem:v62+s1+$0x0], $0xffff;
	v7 =	vmax.f32 v6, $0.0e+00;
	v6 =	vadd.f32 $-1.000000000e+00, v49;
	v59 =	vsub.f32 v59, v51  }
0x174: {  	v51 =	vadd.s32 $0xFFFFFFFE, v28;
	v0 =	vmax.f32 v4, v8;
	v8 =	vadd.f32 $-1.000000000e+00, v25;
	v25 =	vld [tilespmem:s8+$0xFFFFE820]  }
0x175: {  	v4 =	vmax.f32 v4, v57;
	v60 =	vsub.f32 v0, v57;
	v33 =	vadd.f32 $-1.000000000e+00, v58;
	v57 =	vld.idx.msk [tilespmem:v2+s1+$0x0], $0xffff  }
0x176: {  	[tilespmem:v63+s6+$0x0] =	vst.idx.msk $0xffff, v7;
	v0 =	vadd.s32 $0xFFFFFFFE, v47;
	v9 =	vsub.f32 v9, v8;
	v8 =	vadd.f32 $-1.000000000e+00, v8  }
0x177: {  	v58 =	vsub.f32 v1, v58;
	v54 =	vmax.f32 v4, v54;
	v63 =	vmax.f32 v4, v59  }
0x178: {  	v11 =	vld [tilespmem:s8+$0xFFFFE810];
	v10 =	vsub.f32 v10, v9;
	v3 =	vmax.f32 v3, v9;
	v9 =	vadd.f32 $-1.000000000e+00, v8  }
0x179: {  	v12 =	vld.idx.msk [tilespmem:v28+s1+$0x0], $0xffff;
	v54 =	vsub.f32 v54, v59;
	v7 =	vmax.f32 v60, $0.0e+00;
	v8 =	vsub.f32 v61, v8  }
0x17a: {  	v1 =	vadd.s32 $0xFFFFFFFF, v47;
	[tilespmem:v39+s6+$0x0] =	vst.idx.msk $0xffff, v7;
	v39 =	vld [tilespmem:s8+$0xFFFFE800];
	v25 =	vmax.f32 v3, v25;
	v13 =	vsub.f32 v57, v9  }
0x17b: {  	v7 =	vld.idx.msk [tilespmem:v5+s1+$0x0], $0xffff;
	v25 =	vsub.f32 v25, v8;
	v3 =	vmax.f32 v3, v8;
	v8 =	vmax.f32 v54, $0.0e+00  }
0x17c: {  	v61 =	vmax.f32 v15, $-2.024000000e+03;
	v10 =	vmax.f32 v10, $0.0e+00;
	v57 =	vld.idx.msk [tilespmem:v37+s1+$0x0], $0xffff;
	v54 =	vadd.f32 $-1.000000000e+00, v9;
	[tilespmem:v21+s6+$0x0] =	vst.idx.msk $0xffff, v8  }
0x17d: {  	v60 =	vld [tilespmem:s9+$0x1800];
	v11 =	vmax.f32 v3, v11;
	[tilespmem:v45+s6+$0x0] =	vst.idx.msk $0xffff, v10;
	v4 =	vmax.f32 v3, v13;
	v3 =	vmax.f32 v25, $0.0e+00  }
0x17e: {  	v10 =	vsub.f32 v11, v13;
	v59 =	vld.idx.msk [tilespmem:v51+s1+$0x0], $0xffff;
	v11 =	vimm.f32 $1.023000000e+03;
	[tilespmem:v62+s6+$0x0] =	vst.idx.msk $0xffff, v3;
	v3 =	vadd.s32 $0xFFFFFFFD, v47  }
0x17f: {  	s10 =	simm.s32 $0x4;
	s9 =	simm.s32 $0xA880;
	v8 =	vld [tilespmem:s8+$0xFFFFF030];
	v9 =	vmax.f32 v4, v39;
	v62 =	vsub.f32 v12, v11;
	v39 =	vmovc v24;
	v25 =	vmovc v28;
	v28 =	vmov v44  }
.LBB2_4:
0x180: {  	_ = 	snop  }
0x181: {  	v10 =	vmax.f32 v10, $0.0e+00  }
0x182: {  	v13 =	vmov v52;
	[tilespmem:v2+s6+$0x0] =	vst.idx.msk $0xffff, v10  }
0x183: {  	[tilespmem:$0x1FEF0] =	vst v13;
	v13 =	vadd.f32 $-1.000000000e+00, v6;
	v52 =	vmov v6;
	v6 =	vld.idx.msk [tilespmem:v0+s1+$0x0], $0xffff  }
0x184: {  	v11 =	vld.idx.msk [tilespmem:v47+s1+$0x0], $0xffff;
	v7 =	vsub.f32 v7, v54;
	v12 =	vmax.f32 v63, v60  }
0x185: {  	v14 =	vld.idx.msk [tilespmem:v1+s1+$0x0], $0xffff;
	v61 =	vsub.f32 v61, v62;
	v2 =	vsub.f32 v12, v58  }
0x186: {  	v15 =	vmax.f32 v15, v62;
	v12 =	vadd.f32 $-1.000000000e+00, v41;
	v9 =	vsub.f32 v9, v7  }
0x187: {  	v21 =	vmovc v22;
	v62 =	vsub.f32 v57, v19;
	v10 =	vld [tilespmem:s8+$0xFFFFF020];
	v8 =	vmax.f32 v42, v8;
	v2 =	vmax.f32 v2, $0.0e+00  }
0x188: {  	v22 =	vmovc v13;
	v13 =	vadd.f32 $-1.000000000e+00, v12;
	v9 =	vmax.f32 v9, $0.0e+00;
	[tilespmem:v50+s6+$0x0] =	vst.idx.msk $0xffff, v2;
	v6 =	vsub.f32 v6, v12;
	v12 =	vld [tilespmem:$0x1FF00]  }
0x189: {  	v58 =	vmax.f32 v63, v58;
	v2 =	vmax.f32 v61, $0.0e+00;
	[tilespmem:v5+s6+$0x0] =	vst.idx.msk $0xffff, v9;
	v9 =	vsub.f32 v11, v40;
	v11 =	vld [tilespmem:s8+$0xFFFFF010]  }
0x18a: {  	v63 =	vmax.f32 v15, $-2.024000000e+03;
	[tilespmem:v25+s6+$0x0] =	vst.idx.msk $0xffff, v2;
	v2 =	vsub.f32 v14, v41;
	v5 =	vld.idx.msk [tilespmem:v16+s1+$0x0], $0xffff  }
0x18b: {  	v14 =	vmax.f32 v15, v62;
	v15 =	vld.idx.msk [tilespmem:v3+s1+$0x0], $0xffff;
	v8 =	vsub.f32 v8, v9;
	v9 =	vmax.f32 v42, v9  }
0x18c: {  	v61 =	vsub.f32 v59, v23;
	v10 =	vmax.f32 v9, v10  }
0x18d: {  	v57 =	vmax.f32 v4, v7;
	v4 =	vld [tilespmem:s8+$0xFFFFF000];
	v7 =	vmax.f32 v8, $0.0e+00;
	v8 =	vsub.f32 v10, v2  }
0x18e: {  	v40 =	vadd.f32 $-1.000000000e+00, v13;
	v10 =	vmax.f32 v14, v61;
	v2 =	vmax.f32 v9, v2;
	[tilespmem:v47+s6+$0x0] =	vst.idx.msk $0xffff, v7  }
0x18f: {  	v7 =	vmax.f32 v14, $-2.024000000e+03;
	v11 =	vmax.f32 v2, v11;
	v5 =	vsub.f32 v5, v12;
	v12 =	vmovc v49  }
0x190: {  	v9 =	vld.idx.msk [tilespmem:v43+s1+$0x0], $0xffff;
	v8 =	vmax.f32 v8, $0.0e+00;
	v13 =	vsub.f32 v15, v13;
	v7 =	vsub.f32 v7, v61;
	[tilespmem:$0x1FF00] =	vst v12  }
0x191: {  	v12 =	vld [tilespmem:s8+$0xFFFFF830];
	[tilespmem:v1+s6+$0x0] =	vst.idx.msk $0xffff, v8;
	v1 =	vmax.f32 v2, v6;
	v2 =	vmax.f32 v10, $-2.024000000e+03;
	v6 =	vsub.f32 v11, v6  }
0x192: {  	v25 =	vmovc v18;
	v4 =	vmax.f32 v1, v4;
	v2 =	vsub.f32 v2, v5;
	v18 =	vmax.f32 v10, v5  }
0x193: {  	v8 =	vld.idx.msk [tilespmem:v56+s1+$0x0], $0xffff;
	v42 =	vmax.f32 v1, v13;
	v4 =	vsub.f32 v4, v13;
	v5 =	vmax.f32 v6, $0.0e+00  }
0x194: {  	v14 =	vld [tilespmem:s8+$0xFFFFF820];
	v6 =	vmax.f32 v7, $0.0e+00;
	v1 =	vmax.f32 v2, $0.0e+00;
	v2 =	vadd.f32 $-1.000000000e+00, v36;
	[tilespmem:v0+s6+$0x0] =	vst.idx.msk $0xffff, v5  }
0x195: {  	[tilespmem:v16+s6+$0x0] =	vst.idx.msk $0xffff, v1;
	v1 =	vsub.f32 v9, v36;
	v0 =	vmax.f32 v4, $0.0e+00;
	v4 =	vsub.f32 v63, v62  }
0x196: {  	v7 =	vld.idx.msk [tilespmem:v55+s1+$0x0], $0xffff;
	[tilespmem:v51+s6+$0x0] =	vst.idx.msk $0xffff, v6;
	v5 =	vmax.f32 v38, v12  }
0x197: {  	v9 =	vadd.f32 $-1.000000000e+00, v2;
	[tilespmem:v3+s6+$0x0] =	vst.idx.msk $0xffff, v0;
	v0 =	vmax.f32 v4, $0.0e+00;
	v3 =	vmax.f32 v38, v1  }
0x198: {  	v10 =	vld [tilespmem:s8+$0xFFFFF810];
	v2 =	vsub.f32 v8, v2;
	[tilespmem:v37+s6+$0x0] =	vst.idx.msk $0xffff, v0;
	v0 =	vsub.f32 v5, v1  }
0x199: {  	v8 =	vld.idx.msk [tilespmem:v53+s1+$0x0], $0xffff;
	v1 =	vmax.f32 v3, v14  }
0x19a: {  	v6 =	vadd.s32 $0xFFFFFFFF, v34;
	v1 =	vsub.f32 v1, v2;
	v0 =	vmax.f32 v0, $0.0e+00  }
0x19b: {  	v4 =	vld [tilespmem:s8+$0xFFFFF800];
	v11 =	vadd.f32 $-1.000000000e+00, v9;
	[tilespmem:v43+s6+$0x0] =	vst.idx.msk $0xffff, v0  }
0x19c: {  	v3 =	vmax.f32 v3, v2;
	v0 =	vsub.f32 v7, v9;
	v1 =	vmax.f32 v1, $0.0e+00;
	v7 =	vld.idx.msk [tilespmem:v34+s1+$0x0], $0xffff  }
0x19d: {  	v5 =	vadd.s32 $0xFFFFFFFE, v34;
	v2 =	vmax.f32 v3, v10;
	v10 =	vld [tilespmem:s8+$0x30];
	[tilespmem:v56+s6+$0x0] =	vst.idx.msk $0xffff, v1  }
0x19e: {  	v1 =	vsub.f32 v2, v0;
	v0 =	vmax.f32 v3, v0;
	v3 =	vsub.f32 v8, v11  }
0x19f: {  	v36 =	vadd.f32 $-1.000000000e+00, v11;
	v11 =	vld.idx.msk [tilespmem:v6+s1+$0x0], $0xffff  }
0x1a0: {  	v2 =	vld [tilespmem:s8+$0x20];
	v4 =	vmax.f32 v0, v4;
	v1 =	vmax.f32 v1, $0.0e+00;
	v38 =	vmax.f32 v0, v3  }
0x1a1: {  	v9 =	vadd.s32 $0xFFFFFFFD, v34;
	[tilespmem:v55+s6+$0x0] =	vst.idx.msk $0xffff, v1;
	v1 =	vsub.f32 v4, v3;
	v3 =	vsub.f32 v7, v32  }
0x1a2: {  	v8 =	vadd.f32 $-1.000000000e+00, v32;
	v0 =	vld.idx.msk [tilespmem:v5+s1+$0x0], $0xffff;
	v7 =	vmax.f32 v35, v10  }
0x1a3: {  	v12 =	vld [tilespmem:s8+$0x10];
	v1 =	vmax.f32 v1, $0.0e+00;
	v7 =	vsub.f32 v7, v3  }
0x1a4: {  	[tilespmem:v53+s6+$0x0] =	vst.idx.msk $0xffff, v1;
	v1 =	vmax.f32 v35, v3;
	v3 =	vsub.f32 v11, v8  }
0x1a5: {  	v4 =	vadd.f32 $-1.000000000e+00, v8;
	v2 =	vmax.f32 v1, v2  }
0x1a6: {  	v10 =	vadd.s32 $0xFFFFFFFF, v26;
	v11 =	vld.idx.msk [tilespmem:v9+s1+$0x0], $0xffff;
	v7 =	vmax.f32 v7, $0.0e+00;
	v2 =	vsub.f32 v2, v3  }
0x1a7: {  	v1 =	vmax.f32 v1, v3;
	v3 =	vld [tilespmem:s8+$0x0];
	[tilespmem:v34+s6+$0x0] =	vst.idx.msk $0xffff, v7;
	v0 =	vsub.f32 v0, v4  }
0x1a8: {  	v8 =	vadd.f32 $-1.000000000e+00, v4;
	v4 =	vmax.f32 v1, v12;
	v7 =	vld.idx.msk [tilespmem:v26+s1+$0x0], $0xffff;
	v2 =	vmax.f32 v2, $0.0e+00  }
0x1a9: {  	v13 =	vadd.s32 $0xFFFFFFFE, v26;
	v14 =	vld [tilespmem:s8+$0x830];
	[tilespmem:v6+s6+$0x0] =	vst.idx.msk $0xffff, v2;
	v2 =	vsub.f32 v4, v0;
	_ =	sdelay $0x1  }
0x1aa: {  	v0 =	vmax.f32 v1, v0;
	v1 =	vld.idx.msk [tilespmem:v10+s1+$0x0], $0xffff;
	v4 =	vsub.f32 v11, v8;
	v2 =	vmax.f32 v2, $0.0e+00  }
0x1ab: {  	v32 =	vadd.f32 $-1.000000000e+00, v8;
	v12 =	vadd.s32 $0xFFFFFFFD, v26;
	v8 =	vld [tilespmem:s8+$0x820];
	v3 =	vmax.f32 v0, v3;
	[tilespmem:v5+s6+$0x0] =	vst.idx.msk $0xffff, v2  }
0x1ac: {  	v2 =	vsub.f32 v3, v4;
	v35 =	vmax.f32 v0, v4;
	v0 =	vsub.f32 v7, v27  }
0x1ad: {  	v6 =	vadd.f32 $-1.000000000e+00, v27;
	v3 =	vmax.f32 v31, v14;
	v5 =	vld.idx.msk [tilespmem:v13+s1+$0x0], $0xffff  }
0x1ae: {  	v11 =	vld [tilespmem:s8+$0x810];
	v2 =	vmax.f32 v2, $0.0e+00;
	v3 =	vsub.f32 v3, v0  }
0x1af: {  	v0 =	vmax.f32 v31, v0;
	[tilespmem:v9+s6+$0x0] =	vst.idx.msk $0xffff, v2;
	v1 =	vsub.f32 v1, v6  }
0x1b0: {  	v4 =	vadd.f32 $-1.000000000e+00, v6;
	v2 =	vmax.f32 v0, v8;
	v8 =	vld.idx.msk [tilespmem:v12+s1+$0x0], $0xffff  }
0x1b1: {  	v14 =	vld [tilespmem:s8+$0x800];
	v3 =	vmax.f32 v3, $0.0e+00;
	v2 =	vsub.f32 v2, v1  }
0x1b2: {  	v7 =	vadd.s32 $0xFFFFFFFF, v24;
	v0 =	vmax.f32 v0, v1;
	[tilespmem:v26+s6+$0x0] =	vst.idx.msk $0xffff, v3;
	v1 =	vsub.f32 v5, v4  }
0x1b3: {  	v6 =	vadd.f32 $-1.000000000e+00, v4;
	v5 =	vmax.f32 v0, v11;
	v3 =	vld.idx.msk [tilespmem:v24+s1+$0x0], $0xffff;
	v2 =	vmax.f32 v2, $0.0e+00  }
0x1b4: {  	v9 =	vadd.s32 $0xFFFFFFFE, v24;
	v4 =	vld [tilespmem:s8+$0x1030];
	[tilespmem:v10+s6+$0x0] =	vst.idx.msk $0xffff, v2;
	v2 =	vsub.f32 v5, v1  }
0x1b5: {  	v27 =	vadd.f32 $-1.000000000e+00, v6;
	v0 =	vmax.f32 v0, v1;
	v6 =	vsub.f32 v8, v6  }
0x1b6: {  	v5 =	vadd.s32 $0xFFFFFFFD, v24;
	v8 =	vmax.f32 v0, v14;
	v2 =	vmax.f32 v2, $0.0e+00  }
0x1b7: {  	v1 =	vld.idx.msk [tilespmem:v7+s1+$0x0], $0xffff;
	[tilespmem:v13+s6+$0x0] =	vst.idx.msk $0xffff, v2;
	v2 =	vsub.f32 v8, v6  }
0x1b8: {  	v44 =	vadd.s32 $0xFFFFFFFC, v44;
	v10 =	vld [tilespmem:s8+$0x1020];
	v31 =	vmax.f32 v0, v6;
	v0 =	vsub.f32 v3, v29  }
0x1b9: {  	v11 =	vadd.f32 $-1.000000000e+00, v29;
	v3 =	vld.idx.msk [tilespmem:v9+s1+$0x0], $0xffff;
	v4 =	vmax.f32 v30, v4;
	v2 =	vmax.f32 v2, $0.0e+00  }
0x1ba: {  	v45 =	vadd.s32 $0xFFFFFFFC, v45;
	v60 =	vadd.s32 $0xFFFFFFFD, v46;
	v6 =	vld [tilespmem:s8+$0x1010];
	v4 =	vsub.f32 v4, v0;
	[tilespmem:v12+s6+$0x0] =	vst.idx.msk $0xffff, v2  }
0x1bb: {  	v19 =	vmovc v46;
	v46 =	vadd.s32 $0xFFFFFFFC, v46;
	v54 =	vadd.f32 $-1.000000000e+00, v54;
	v8 =	vadd.f32 $-1.000000000e+00, v11;
	v2 =	vld.idx.msk [tilespmem:v5+s1+$0x0], $0xffff  }
0x1bc: {  	v1 =	vsub.f32 v1, v11;
	v0 =	vmax.f32 v30, v0;
	v11 =	vld [tilespmem:s8+$0x1000];
	v4 =	vmax.f32 v4, $0.0e+00  }
0x1bd: {  	v50 =	vadd.s32 $0xFFFFFFFD, v28;
	v12 =	vadd.s32 $0xFFFFFFFF, v28;
	v10 =	vmax.f32 v0, v10;
	[tilespmem:v39+s6+$0x0] =	vst.idx.msk $0xffff, v4  }
0x1be: {  	v0 =	vmax.f32 v0, v1;
	v4 =	vadd.f32 $-1.000000000e+00, v8;
	v3 =	vsub.f32 v3, v8;
	v14 =	vld.idx.msk [tilespmem:v28+s1+$0x0], $0xffff  }
0x1bf: {  	v13 =	vadd.s32 $0xFFFFFFFE, v28;
	v10 =	vsub.f32 v10, v1;
	v1 =	vmax.f32 v0, v6;
	v8 =	vld [tilespmem:s8+$0x1830]  }
0x1c0: {  	v0 =	vmax.f32 v0, v3;
	v1 =	vsub.f32 v1, v3;
	v2 =	vsub.f32 v2, v4  }
0x1c1: {  	s8 =	sadd.s32 $0xFFFFFFC0, s8;
	v29 =	vadd.f32 $-1.000000000e+00, v4;
	v4 =	vmax.f32 v10, $0.0e+00;
	v6 =	vmax.f32 v0, v11  }
0x1c2: {  	v23 =	vmovc v48;
	v48 =	vadd.f32 $-1.000000000e+00, v22;
	v3 =	vld [tilespmem:s8+$0xFFFFE820];
	[tilespmem:v7+s6+$0x0] =	vst.idx.msk $0xffff, v4;
	v1 =	vmax.f32 v1, $0.0e+00;
	v4 =	vsub.f32 v6, v2  }
0x1c3: {  	v41 =	vadd.f32 $-1.000000000e+00, v40;
	v30 =	vmax.f32 v0, v2;
	v11 =	vld.idx.msk [tilespmem:v12+s1+$0x0], $0xffff;
	[tilespmem:v9+s6+$0x0] =	vst.idx.msk $0xffff, v1;
	v9 =	vadd.s32 $0xFFFFFFFF, v45  }
0x1c4: {  	v0 =	vsub.f32 v14, v33;
	v1 =	vmax.f32 v58, v8;
	v8 =	vld [tilespmem:s9+$0x1820];
	v2 =	vmax.f32 v4, $0.0e+00  }
0x1c5: {  	v49 =	vadd.f32 $-1.000000000e+00, v48;
	v15 =	vadd.f32 $-1.000000000e+00, v54;
	v51 =	vld.idx.msk [tilespmem:v45+s1+$0x0], $0xffff;
	[tilespmem:v5+s6+$0x0] =	vst.idx.msk $0xffff, v2;
	v2 =	vadd.s32 $0xFFFFFFFE, v45  }
0x1c6: {  	v47 =	vadd.s32 $0xFFFFFFFC, v47;
	v7 =	vadd.f32 $-1.000000000e+00, v33;
	v61 =	vld.idx.msk [tilespmem:v13+s1+$0x0], $0xffff;
	v1 =	vsub.f32 v1, v0  }
0x1c7: {  	v17 =	vadd.f32 $-1.000000000e+00, v15;
	v37 =	vadd.s32 $0xFFFFFFFF, v25;
	v43 =	vadd.s32 $0xFFFFFFFC, v43;
	v14 =	vld [tilespmem:s9+$0x1810]  }
0x1c8: {  	v4 =	vmax.f32 v58, v0;
	v0 =	vmax.f32 v1, $0.0e+00;
	v1 =	vsub.f32 v11, v7;
	v11 =	vld.idx.msk [tilespmem:v9+s1+$0x0], $0xffff  }
0x1c9: {  	v56 =	vadd.s32 $0xFFFFFFFF, v43;
	v10 =	vld [tilespmem:s8+$0xFFFFE830];
	v59 =	vadd.f32 $-1.000000000e+00, v7;
	v8 =	vmax.f32 v4, v8  }
0x1ca: {  	v55 =	vadd.s32 $0xFFFFFFFE, v43;
	v51 =	vsub.f32 v51, v54;
	v8 =	vsub.f32 v8, v1;
	v63 =	vld.idx.msk [tilespmem:v2+s1+$0x0], $0xffff  }
0x1cb: {  	v53 =	vadd.s32 $0xFFFFFFFD, v43;
	v7 =	vadd.f32 $-1.000000000e+00, v59;
	v59 =	vsub.f32 v61, v59  }
0x1cc: {  	v54 =	vld [tilespmem:s8+$0xFFFFE810];
	v61 =	vmax.f32 v57, v51;
	v4 =	vmax.f32 v4, v1;
	v8 =	vmax.f32 v8, $0.0e+00  }
0x1cd: {  	v5 =	vadd.s32 $0xFFFFFFFD, v45;
	v14 =	vmax.f32 v4, v14;
	[tilespmem:v12+s6+$0x0] =	vst.idx.msk $0xffff, v8;
	v8 =	vsub.f32 v11, v15;
	v11 =	vld [tilespmem:s8+$0xFFFFE800]  }
0x1ce: {  	v10 =	vmax.f32 v57, v10;
	v3 =	vmax.f32 v61, v3;
	v12 =	vsub.f32 v14, v59  }
0x1cf: {  	v58 =	vld.idx.msk [tilespmem:v50+s1+$0x0], $0xffff;
	[tilespmem:v28+s6+$0x0] =	vst.idx.msk $0xffff, v0;
	v3 =	vsub.f32 v3, v8;
	v14 =	vsub.f32 v63, v17  }
0x1d0: {  	v62 =	vld.idx.msk [tilespmem:v25+s1+$0x0], $0xffff;
	v63 =	vmax.f32 v4, v59;
	v4 =	vmax.f32 v61, v8;
	v8 =	vmax.f32 v12, $0.0e+00  }
0x1d1: {  	s10 =	sadd.s32 $0x4, s10;
	v57 =	vld.idx.msk [tilespmem:v37+s1+$0x0], $0xffff;
	v12 =	vmax.f32 v4, v54;
	v3 =	vmax.f32 v3, $0.0e+00;
	v4 =	vmax.f32 v4, v14  }
0x1d2: {  	p0 =	slt.u32 s10, $0x7C;
	v10 =	vsub.f32 v10, v51;
	v51 =	vadd.s32 $0xFFFFFFFE, v25;
	[tilespmem:v9+s6+$0x0] =	vst.idx.msk $0xffff, v3;
	v9 =	vmax.f32 v4, v11;
	v11 =	vld [tilespmem:$0x1FEF0]  }
.Ltmp1:
0x1d3: {  	v16 =	vmovc v20;
	v34 =	vadd.s32 $0xFFFFFFFC, v34;
	v26 =	vadd.s32 $0xFFFFFFFC, v26;
	v24 =	vadd.s32 $0xFFFFFFFC, v24;
	(pc) =	sbr.rel @p0 .LBB2_4-.Ltmp1, $4  }
0x1d4: {  	v20 =	vmovc v60;
	v39 =	vmovc v24;
	v6 =	vadd.f32 $-1.000000000e+00, v49;
	v60 =	vld [tilespmem:s9+$0x1800];
	v0 =	vadd.s32 $0xFFFFFFFE, v47;
	v10 =	vmax.f32 v10, $0.0e+00  }
0x1d5: {  	v33 =	vadd.f32 $-1.000000000e+00, v7;
	[tilespmem:v45+s6+$0x0] =	vst.idx.msk $0xffff, v10;
	v58 =	vsub.f32 v58, v7;
	v7 =	vld.idx.msk [tilespmem:v5+s1+$0x0], $0xffff;
	v15 =	vmov v18  }
0x1d6: {  	v28 =	vmovc v44;
	v1 =	vadd.s32 $0xFFFFFFFF, v47;
	v18 =	vmovc v19;
	v61 =	vmax.f32 v15, $-2.024000000e+03;
	[tilespmem:v13+s6+$0x0] =	vst.idx.msk $0xffff, v8;
	v54 =	vadd.f32 $-1.000000000e+00, v17;
	v8 =	vld [tilespmem:s8+$0xFFFFF030]  }
0x1d7: {  	s9 =	smov.u32 s8;
	v19 =	vmovc v21;
	v10 =	vsub.f32 v12, v14;
	v59 =	vld.idx.msk [tilespmem:v51+s1+$0x0], $0xffff;
	v3 =	vadd.s32 $0xFFFFFFFD, v47;
	v62 =	vsub.f32 v62, v11  }
0x1d8: {  	_ =	sdelay $0x3  }
0x1d9: {  	v4 =	vld.idx.msk [tilespmem:v47+s1+$0x0], $0xffff;
	_ =	sdelay $0x2  }
0x1da: {  	v17 =	vld.idx.msk [tilespmem:v1+s1+$0x0], $0xffff;
	v6 =	vsub.f32 v7, v54  }
0x1db: {  	v21 =	vld [tilespmem:s8+$0xFFFFF020];
	v14 =	vmax.f32 v10, $0.0e+00  }
0x1dc: {  	[tilespmem:v2+s6+$0x0] =	vst.idx.msk $0xffff, v14;
	v6 =	vsub.f32 v9, v6;
	v4 =	vsub.f32 v4, v40  }
0x1dd: {  	v7 =	vld.idx.msk [tilespmem:v0+s1+$0x0], $0xffff;
	v8 =	vmax.f32 v42, v8  }
0x1de: {  	v40 =	vld [tilespmem:s8+$0xFFFFF010];
	v6 =	vmax.f32 v6, $0.0e+00;
	v8 =	vsub.f32 v8, v4  }
0x1df: {  	v11 =	vadd.f32 $-1.000000000e+00, v41;
	v41 =	vsub.f32 v17, v41;
	[tilespmem:v5+s6+$0x0] =	vst.idx.msk $0xffff, v6;
	v4 =	vmax.f32 v42, v4  }
0x1e0: {  	v6 =	vld.idx.msk [tilespmem:v3+s1+$0x0], $0xffff;
	v2 =	vmax.f32 v4, v21;
	v8 =	vmax.f32 v8, $0.0e+00  }
0x1e1: {  	v44 =	vld [tilespmem:s8+$0xFFFFF000];
	v2 =	vsub.f32 v2, v41;
	[tilespmem:v47+s6+$0x0] =	vst.idx.msk $0xffff, v8  }
0x1e2: {  	v4 =	vmax.f32 v4, v41;
	v45 =	vsub.f32 v7, v11;
	v46 =	vld.idx.msk [tilespmem:v43+s1+$0x0], $0xffff  }
0x1e3: {  	v47 =	vadd.f32 $-1.000000000e+00, v11;
	v9 =	vmax.f32 v4, v40;
	v54 =	vld [tilespmem:s8+$0xFFFFF830];
	v2 =	vmax.f32 v2, $0.0e+00  }
0x1e4: {  	v9 =	vsub.f32 v9, v45;
	[tilespmem:v1+s6+$0x0] =	vst.idx.msk $0xffff, v2  }
0x1e5: {  	v12 =	vmax.f32 v4, v45;
	v13 =	vsub.f32 v6, v47;
	v14 =	vld.idx.msk [tilespmem:v56+s1+$0x0], $0xffff  }
0x1e6: {  	v1 =	vmax.f32 v12, v44;
	v17 =	vmax.f32 v9, $0.0e+00;
	v21 =	vld [tilespmem:s8+$0xFFFFF820]  }
0x1e7: {  	[tilespmem:v0+s6+$0x0] =	vst.idx.msk $0xffff, v17;
	v1 =	vsub.f32 v1, v13;
	v40 =	vsub.f32 v46, v36  }
0x1e8: {  	v41 =	vadd.f32 $-1.000000000e+00, v36;
	v44 =	vld.idx.msk [tilespmem:v55+s1+$0x0], $0xffff;
	v42 =	vmax.f32 v38, v54  }
0x1e9: {  	v45 =	vld [tilespmem:s8+$0xFFFFF810];
	v1 =	vmax.f32 v1, $0.0e+00;
	v5 =	vsub.f32 v42, v40  }
0x1ea: {  	v4 =	vadd.s32 $0xFFFFFFFF, v34;
	[tilespmem:v3+s6+$0x0] =	vst.idx.msk $0xffff, v1;
	v47 =	vmax.f32 v38, v40;
	v0 =	vsub.f32 v14, v41  }
0x1eb: {  	v46 =	vadd.f32 $-1.000000000e+00, v41;
	v54 =	vld.idx.msk [tilespmem:v53+s1+$0x0], $0xffff;
	v6 =	vmax.f32 v47, v21;
	v12 =	vmax.f32 v5, $0.0e+00  }
0x1ec: {  	v13 =	vld [tilespmem:s8+$0xFFFFF800];
	v1 =	vmax.f32 v47, v0;
	v0 =	vsub.f32 v6, v0;
	[tilespmem:v43+s6+$0x0] =	vst.idx.msk $0xffff, v12  }
0x1ed: {  	v7 =	vadd.s32 $0xFFFFFFFE, v34;
	v14 =	vsub.f32 v44, v46;
	v17 =	vld.idx.msk [tilespmem:v34+s1+$0x0], $0xffff  }
0x1ee: {  	v9 =	vadd.f32 $-1.000000000e+00, v46;
	v8 =	vmax.f32 v1, v45;
	v21 =	vld [tilespmem:s8+$0x30];
	v0 =	vmax.f32 v0, $0.0e+00  }
0x1ef: {  	v8 =	vsub.f32 v8, v14;
	[tilespmem:v56+s6+$0x0] =	vst.idx.msk $0xffff, v0  }
0x1f0: {  	v36 =	vmax.f32 v1, v14;
	v38 =	vsub.f32 v54, v9;
	v40 =	vld.idx.msk [tilespmem:v4+s1+$0x0], $0xffff  }
0x1f1: {  	v2 =	vadd.s32 $0xFFFFFFFD, v34;
	v8 =	vmax.f32 v8, $0.0e+00;
	v0 =	vmax.f32 v36, v13;
	v41 =	vld [tilespmem:s8+$0x20]  }
0x1f2: {  	[tilespmem:v55+s6+$0x0] =	vst.idx.msk $0xffff, v8;
	v0 =	vsub.f32 v0, v38;
	v42 =	vsub.f32 v17, v32  }
0x1f3: {  	v43 =	vadd.f32 $-1.000000000e+00, v32;
	v8 =	vld.idx.msk [tilespmem:v7+s1+$0x0], $0xffff;
	v44 =	vmax.f32 v35, v21  }
0x1f4: {  	v45 =	vld [tilespmem:s8+$0x10];
	v0 =	vmax.f32 v0, $0.0e+00;
	v9 =	vsub.f32 v44, v42  }
0x1f5: {  	[tilespmem:v53+s6+$0x0] =	vst.idx.msk $0xffff, v0;
	v47 =	vmax.f32 v35, v42;
	v53 =	vsub.f32 v40, v43  }
0x1f6: {  	v46 =	vadd.f32 $-1.000000000e+00, v43;
	v54 =	vld.idx.msk [tilespmem:v2+s1+$0x0], $0xffff;
	v5 =	vmax.f32 v47, v41  }
0x1f7: {  	v56 =	vld [tilespmem:s8+$0x0];
	v55 =	vmax.f32 v9, $0.0e+00;
	v9 =	vadd.s32 $0xFFFFFFFF, v26;
	v5 =	vsub.f32 v5, v53  }
0x1f8: {  	v0 =	vmax.f32 v47, v53;
	v17 =	vsub.f32 v8, v46;
	[tilespmem:v34+s6+$0x0] =	vst.idx.msk $0xffff, v55  }
0x1f9: {  	v11 =	vadd.f32 $-1.000000000e+00, v46;
	v8 =	vadd.s32 $0xFFFFFFFE, v26;
	v10 =	vmax.f32 v0, v45;
	v12 =	vld.idx.msk [tilespmem:v26+s1+$0x0], $0xffff  }
0x1fa: {  	v13 =	vld [tilespmem:s8+$0x830];
	v5 =	vmax.f32 v5, $0.0e+00;
	v10 =	vsub.f32 v10, v17  }
0x1fb: {  	v0 =	vmax.f32 v0, v17;
	[tilespmem:v4+s6+$0x0] =	vst.idx.msk $0xffff, v5;
	v21 =	vsub.f32 v54, v11  }
0x1fc: {  	v32 =	vadd.s32 $0xFFFFFFFD, v26;
	v34 =	vmax.f32 v10, $0.0e+00;
	v0 =	vmax.f32 v0, v56;
	v4 =	vld.idx.msk [tilespmem:v9+s1+$0x0], $0xffff  }
0x1fd: {  	v35 =	vld [tilespmem:s8+$0x820];
	[tilespmem:v7+s6+$0x0] =	vst.idx.msk $0xffff, v34;
	v0 =	vsub.f32 v0, v21  }
0x1fe: {  	v5 =	vld.idx.msk [tilespmem:v8+s1+$0x0], $0xffff;
	v36 =	vsub.f32 v12, v27  }
0x1ff: {  	v38 =	vadd.f32 $-1.000000000e+00, v27;
	v41 =	vld [tilespmem:s8+$0x810];
	v40 =	vmax.f32 v31, v13;
	v0 =	vmax.f32 v0, $0.0e+00  }
0x200: {  	v10 =	vsub.f32 v40, v36;
	[tilespmem:v2+s6+$0x0] =	vst.idx.msk $0xffff, v0  }
0x201: {  	v42 =	vadd.f32 $-1.000000000e+00, v38;
	v1 =	vmax.f32 v31, v36;
	v43 =	vsub.f32 v4, v38;
	v44 =	vld.idx.msk [tilespmem:v32+s1+$0x0], $0xffff  }
0x202: {  	v45 =	vadd.s32 $0xFFFFFFFF, v24;
	v6 =	vmax.f32 v1, v35;
	v46 =	vld [tilespmem:s8+$0x800];
	v10 =	vmax.f32 v10, $0.0e+00  }
0x203: {  	v47 =	vsub.f32 v5, v42;
	v6 =	vsub.f32 v6, v43;
	v1 =	vmax.f32 v1, v43  }
0x204: {  	v0 =	vadd.f32 $-1.000000000e+00, v42;
	v5 =	vadd.s32 $0xFFFFFFFE, v24;
	[tilespmem:v26+s6+$0x0] =	vst.idx.msk $0xffff, v10;
	v53 =	vmax.f32 v1, v41  }
0x205: {  	v54 =	vld.idx.msk [tilespmem:v24+s1+$0x0], $0xffff;
	v6 =	vmax.f32 v6, $0.0e+00;
	v10 =	vsub.f32 v53, v47  }
0x206: {  	v55 =	vld [tilespmem:s8+$0x1030];
	v1 =	vmax.f32 v1, v47;
	[tilespmem:v9+s6+$0x0] =	vst.idx.msk $0xffff, v6;
	v0 =	vsub.f32 v44, v0  }
0x207: {  	v17 =	vadd.s32 $0xFFFFFFFD, v24;
	v1 =	vmax.f32 v1, v46;
	v56 =	vld.idx.msk [tilespmem:v45+s1+$0x0], $0xffff;
	v21 =	vmax.f32 v10, $0.0e+00  }
0x208: {  	v9 =	vld [tilespmem:s8+$0x1020];
	[tilespmem:v8+s6+$0x0] =	vst.idx.msk $0xffff, v21;
	v0 =	vsub.f32 v1, v0  }
0x209: {  	v24 =	vld.idx.msk [tilespmem:v5+s1+$0x0], $0xffff  }
0x20a: {  	v26 =	vadd.f32 $-1.000000000e+00, v29;
	v0 =	vmax.f32 v0, $0.0e+00  }
0x20b: {  	v27 =	vsub.f32 v54, v29;
	v31 =	vld [tilespmem:s8+$0x1010];
	[tilespmem:v32+s6+$0x0] =	vst.idx.msk $0xffff, v0  }
0x20c: {  	v36 =	vadd.s32 $0xFFFFFFFF, v28;
	v34 =	vadd.f32 $-1.000000000e+00, v26;
	v29 =	vmax.f32 v30, v55;
	v35 =	vld.idx.msk [tilespmem:v17+s1+$0x0], $0xffff  }
0x20d: {  	v32 =	vsub.f32 v29, v27;
	v8 =	vmax.f32 v30, v27;
	v2 =	vsub.f32 v56, v26;
	v38 =	vld [tilespmem:s8+$0x1000]  }
0x20e: {  	v40 =	vadd.f32 $-1.000000000e+00, v34;
	v9 =	vmax.f32 v8, v9;
	v1 =	vsub.f32 v24, v34  }
0x20f: {  	v0 =	vmax.f32 v32, $0.0e+00;
	v41 =	vsub.f32 v9, v2;
	v2 =	vmax.f32 v8, v2  }
0x210: {  	v42 =	vadd.s32 $0xFFFFFFFE, v28;
	[tilespmem:v39+s6+$0x0] =	vst.idx.msk $0xffff, v0;
	v11 =	vmax.f32 v2, v31;
	v2 =	vmax.f32 v2, v1  }
0x211: {  	v43 =	vld.idx.msk [tilespmem:v28+s1+$0x0], $0xffff;
	v1 =	vsub.f32 v11, v1;
	v3 =	vmax.f32 v41, $0.0e+00;
	v0 =	vsub.f32 v35, v40  }
0x212: {  	v10 =	vadd.s32 $0xFFFFFFFD, v28;
	v44 =	vld [tilespmem:s8+$0x1830];
	v2 =	vmax.f32 v2, v38;
	[tilespmem:v45+s6+$0x0] =	vst.idx.msk $0xffff, v3  }
0x213: {  	v1 =	vmax.f32 v1, $0.0e+00;
	v45 =	vld.idx.msk [tilespmem:v36+s1+$0x0], $0xffff;
	v0 =	vsub.f32 v2, v0  }
0x214: {  	v55 =	vadd.f32 $-1.000000000e+00, v33;
	v53 =	vld [tilespmem:s9+$0x1820];
	[tilespmem:v5+s6+$0x0] =	vst.idx.msk $0xffff, v1  }
0x215: {  	v56 =	vld.idx.msk [tilespmem:v42+s1+$0x0], $0xffff;
	v0 =	vmax.f32 v0, $0.0e+00  }
0x216: {  	v47 =	vmax.f32 v63, v58;
	v46 =	vmax.f32 v63, v60;
	v24 =	vadd.f32 $-1.000000000e+00, v55;
	v63 =	vld [tilespmem:s9+$0x1810];
	[tilespmem:v17+s6+$0x0] =	vst.idx.msk $0xffff, v0  }
0x217: {  	v3 =	vsub.f32 v46, v58;
	v54 =	vsub.f32 v43, v33;
	v26 =	vld.idx.msk [tilespmem:v10+s1+$0x0], $0xffff  }
0x218: {  	v29 =	vadd.f32 $-1.000000000e+00, v24;
	v14 =	vld [tilespmem:s9+$0x1800];
	v2 =	vsub.f32 v45, v55  }
0x219: {  	v3 =	vmax.f32 v3, $0.0e+00;
	v60 =	vmax.f32 v47, v44;
	v5 =	vmax.f32 v47, v54  }
0x21a: {  	v1 =	vmax.f32 v5, v53;
	v5 =	vmax.f32 v5, v2;
	v4 =	vsub.f32 v56, v24  }
0x21b: {  	v21 =	vsub.f32 v60, v54;
	v1 =	vsub.f32 v1, v2;
	v30 =	vmax.f32 v5, v63  }
0x21c: {  	v2 =	vsub.f32 v30, v4;
	v4 =	vmax.f32 v5, v4;
	v6 =	vsub.f32 v26, v29  }
0x21d: {  	[tilespmem:v50+s6+$0x0] =	vst.idx.msk $0xffff, v3;
	v0 =	vmax.f32 v21, $0.0e+00;
	v34 =	vmax.f32 v4, v14  }
0x21e: {  	v27 =	vadd.s32 $0xFFFFFFFF, v18;
	[tilespmem:v28+s6+$0x0] =	vst.idx.msk $0xffff, v0;
	v33 =	vmax.f32 v1, $0.0e+00;
	v1 =	vsub.f32 v34, v6  }
0x21f: {  	v31 =	vadd.s32 $0xFFFFFFFE, v18;
	[tilespmem:v36+s6+$0x0] =	vst.idx.msk $0xffff, v33;
	v36 =	vmax.f32 v2, $0.0e+00  }
0x220: {  	v32 =	vld.idx.msk [tilespmem:v16+s1+$0x0], $0xffff;
	[tilespmem:v42+s6+$0x0] =	vst.idx.msk $0xffff, v36;
	v1 =	vmax.f32 v1, $0.0e+00  }
0x221: {  	v35 =	vld.idx.msk [tilespmem:v18+s1+$0x0], $0xffff;
	[tilespmem:v10+s6+$0x0] =	vst.idx.msk $0xffff, v1  }
0x222: {  	v10 =	vld [tilespmem:$0x1FF00]  }
0x223: {  	v39 =	vsub.f32 v57, v19;
	v17 =	vmov v15;
	v40 =	vld.idx.msk [tilespmem:v27+s1+$0x0], $0xffff  }
0x224: {  	v41 =	vmax.f32 v17, v62;
	v42 =	vsub.f32 v59, v23;
	v43 =	vld.idx.msk [tilespmem:v31+s1+$0x0], $0xffff  }
0x225: {  	v38 =	vsub.f32 v61, v62;
	v44 =	vmax.f32 v41, $-2.024000000e+03;
	v0 =	vmax.f32 v41, v39;
	v47 =	vld.idx.msk [tilespmem:v20+s1+$0x0], $0xffff  }
0x226: {  	v6 =	vsub.f32 v44, v39;
	v46 =	vmax.f32 v0, v42;
	v0 =	vmax.f32 v0, $-2.024000000e+03  }
0x227: {  	v45 =	vmax.f32 v38, $0.0e+00;
	v0 =	vsub.f32 v0, v42;
	v5 =	vsub.f32 v32, v10  }
0x228: {  	v4 =	vsub.f32 v35, v52;
	v59 =	vmax.f32 v6, $0.0e+00;
	v50 =	vmax.f32 v46, $-2.024000000e+03  }
0x229: {  	v52 =	vsub.f32 v40, v22;
	v0 =	vmax.f32 v0, $0.0e+00;
	v12 =	vsub.f32 v50, v5  }
0x22a: {  	v54 =	vsub.f32 v43, v48;
	v10 =	vsub.f32 v47, v49;
	v2 =	vmax.f32 v46, v5  }
0x22b: {  	[tilespmem:v25+s6+$0x0] =	vst.idx.msk $0xffff, v45;
	v53 =	vmax.f32 v2, v4;
	v57 =	vmax.f32 v2, $-2.024000000e+03;
	v55 =	vmax.f32 v12, $0.0e+00  }
0x22c: {  	[tilespmem:v37+s6+$0x0] =	vst.idx.msk $0xffff, v59;
	v56 =	vmax.f32 v53, v52;
	v1 =	vsub.f32 v57, v4;
	v61 =	vmax.f32 v53, $-2.024000000e+03  }
0x22d: {  	[tilespmem:v51+s6+$0x0] =	vst.idx.msk $0xffff, v0;
	v58 =	vmax.f32 v56, v54;
	v60 =	vmax.f32 v56, $-2.024000000e+03;
	v0 =	vsub.f32 v61, v52  }
0x22e: {  	[tilespmem:v16+s6+$0x0] =	vst.idx.msk $0xffff, v55;
	v2 =	vmax.f32 v58, $-2.024000000e+03;
	v1 =	vmax.f32 v1, $0.0e+00;
	v4 =	vsub.f32 v60, v54  }
0x22f: {  	v2 =	vsub.f32 v2, v10;
	[tilespmem:v18+s6+$0x0] =	vst.idx.msk $0xffff, v1;
	v0 =	vmax.f32 v0, $0.0e+00  }
0x230: {  	v63 =	vmax.f32 v4, $0.0e+00;
	[tilespmem:v27+s6+$0x0] =	vst.idx.msk $0xffff, v0  }
0x231: {  	v62 =	vmax.f32 v2, $0.0e+00;
	[tilespmem:v31+s6+$0x0] =	vst.idx.msk $0xffff, v63  }
0x232: {  	[tilespmem:v20+s6+$0x0] =	vst.idx.msk $0xffff, v62  }
0x233: {  	s9 =	rddreg [dreg:$0x4]  }
0x234: {  	[hbm4b:s9+s1] =	stream.linear.scatter [tilespmem:s6], [sflag:$0x1], $0x400, $0x38;
	[tilespmem:$0xC900] =	vst v63  }
0x235: {  	s11 =	simm.s32 $0x4488;
	s10 =	rddreg [dreg:$0x5]  }
0x236: {  	[hbm4b:s10+s1] =	stream.linear.scatter [tilespmem:s11], [sflag:$0x1], $0x400, $0x38;
	[tilespmem:$0xC900] =	vst v63  }
0x237: {  	s10 =	rddreg [dreg:$0x6];
	s11 =	simm.s32 $0x4890  }
0x238: {  	[hbm4b:s10+s1] =	stream.linear.scatter [tilespmem:s11], [sflag:$0x1], $0x400, $0x38;
	[tilespmem:$0xC900] =	vst v63  }
0x239: {  	s10 =	rddreg [dreg:$0x7];
	s11 =	simm.s32 $0x4C98  }
0x23a: {  	[hbm4b:s10+s1] =	stream.linear.scatter [tilespmem:s11], [sflag:$0x1], $0x400, $0x38;
	[tilespmem:$0xC900] =	vst v63  }
0x23b: {  	s10 =	rddreg [dreg:$0x8];
	s11 =	simm.s32 $0x50A0  }
0x23c: {  	[hbm4b:s10+s1] =	stream.linear.scatter [tilespmem:s11], [sflag:$0x1], $0x400, $0x38;
	[tilespmem:$0xC900] =	vst v63  }
0x23d: {  	s10 =	rddreg [dreg:$0x9];
	s11 =	simm.s32 $0x54A8  }
0x23e: {  	[hbm4b:s10+s1] =	stream.linear.scatter [tilespmem:s11], [sflag:$0x1], $0x400, $0x38;
	[tilespmem:$0xC900] =	vst v63  }
0x23f: {  	s10 =	rddreg [dreg:$0xa];
	s11 =	simm.s32 $0x58B0  }
0x240: {  	[hbm4b:s10+s1] =	stream.linear.scatter [tilespmem:s11], [sflag:$0x1], $0x400, $0x38;
	[tilespmem:$0xC900] =	vst v63  }
0x241: {  	s10 =	rddreg [dreg:$0xb];
	s11 =	simm.s32 $0x5CB8  }
0x242: {  	[hbm4b:s10+s1] =	stream.linear.scatter [tilespmem:s11], [sflag:$0x1], $0x400, $0x38;
	[tilespmem:$0xC900] =	vst v63  }
0x243: {  	s9 =	rddreg [dreg:$0xc];
	s10 =	simm.s32 $0x60C0  }
0x244: {  	[hbm4b:s9+s1] =	stream.linear.scatter [tilespmem:s10], [sflag:$0x1], $0x400, $0x38;
	[tilespmem:$0xC900] =	vst v63  }
0x245: {  	s11 =	simm.s32 $0x64C8  }
0x246: {  	[hbm4b:s26+s1] =	stream.linear.scatter [tilespmem:s11], [sflag:$0x1], $0x400, $0x38;
	[tilespmem:$0xC900] =	vst v63  }
0x247: {  	s9 =	simm.s32 $0x68D0  }
0x248: {  	[hbm4b:s30+s1] =	stream.linear.scatter [tilespmem:s9], [sflag:$0x1], $0x400, $0x38;
	[tilespmem:$0xC900] =	vst v63  }
0x249: {  	s10 =	simm.s32 $0x6CD8  }
0x24a: {  	[hbm4b:s31+s1] =	stream.linear.scatter [tilespmem:s10], [sflag:$0x1], $0x400, $0x38;
	[tilespmem:$0xC900] =	vst v63  }
0x24b: {  	s11 =	simm.s32 $0x70E0  }
0x24c: {  	[hbm4b:s28+s1] =	stream.linear.scatter [tilespmem:s11], [sflag:$0x1], $0x400, $0x38;
	[tilespmem:$0xC900] =	vst v63  }
0x24d: {  	s9 =	simm.s32 $0x74E8  }
0x24e: {  	[hbm4b:s0+s1] =	stream.linear.scatter [tilespmem:s9], [sflag:$0x1], $0x400, $0x38;
	[tilespmem:$0xC900] =	vst v63  }
0x24f: {  	s10 =	simm.s32 $0x78F0  }
0x250: {  	[hbm4b:s2+s1] =	stream.linear.scatter [tilespmem:s10], [sflag:$0x1], $0x400, $0x38;
	[tilespmem:$0xC900] =	vst v63  }
0x251: {  	s11 =	simm.s32 $0x7CF8  }
0x252: {  	[hbm4b:s3+s1] =	stream.linear.scatter [tilespmem:s11], [sflag:$0x1], $0x400, $0x38;
	[tilespmem:$0xC900] =	vst v63  }
0x253: {  	_ =	swait.ge [sflag:s5], $0x400  }
0x254: {  	[sflag:s5] =	ssyncset.done $0x0  }
0x255: {  	[sflag:s5] =	ssyncadd.s32 $0xFFFFFC00  }
0x256: {  	_ =	swait.ge [sflag:s5], $0x400  }
0x257: {  	[sflag:s5] =	ssyncset.done $0x0  }
0x258: {  	[sflag:s5] =	ssyncadd.s32 $0xFFFFFC00  }
0x259: {  	_ =	swait.ge [sflag:s5], $0x400  }
0x25a: {  	[sflag:s5] =	ssyncset.done $0x0  }
0x25b: {  	[sflag:s5] =	ssyncadd.s32 $0xFFFFFC00  }
0x25c: {  	_ =	swait.ge [sflag:s5], $0x400  }
0x25d: {  	[sflag:s5] =	ssyncset.done $0x0  }
0x25e: {  	[sflag:s5] =	ssyncadd.s32 $0xFFFFFC00  }
0x25f: {  	_ =	swait.ge [sflag:s5], $0x400  }
0x260: {  	[sflag:s5] =	ssyncset.done $0x0  }
0x261: {  	[sflag:s5] =	ssyncadd.s32 $0xFFFFFC00  }
0x262: {  	_ =	swait.ge [sflag:s5], $0x400  }
0x263: {  	[sflag:s5] =	ssyncset.done $0x0  }
0x264: {  	[sflag:s5] =	ssyncadd.s32 $0xFFFFFC00  }
0x265: {  	_ =	swait.ge [sflag:s5], $0x400  }
0x266: {  	[sflag:s5] =	ssyncset.done $0x0  }
0x267: {  	[sflag:s5] =	ssyncadd.s32 $0xFFFFFC00  }
0x268: {  	_ =	swait.ge [sflag:s5], $0x400  }
0x269: {  	[sflag:s5] =	ssyncset.done $0x0  }
0x26a: {  	[sflag:s5] =	ssyncadd.s32 $0xFFFFFC00  }
0x26b: {  	_ =	swait.ge [sflag:s5], $0x400  }
0x26c: {  	[sflag:s5] =	ssyncset.done $0x0  }
0x26d: {  	[sflag:s5] =	ssyncadd.s32 $0xFFFFFC00  }
0x26e: {  	_ =	swait.ge [sflag:s5], $0x400  }
0x26f: {  	[sflag:s5] =	ssyncset.done $0x0  }
0x270: {  	[sflag:s5] =	ssyncadd.s32 $0xFFFFFC00  }
0x271: {  	_ =	swait.ge [sflag:s5], $0x400  }
0x272: {  	[sflag:s5] =	ssyncset.done $0x0  }
0x273: {  	[sflag:s5] =	ssyncadd.s32 $0xFFFFFC00  }
0x274: {  	_ =	swait.ge [sflag:s5], $0x400  }
0x275: {  	[sflag:s5] =	ssyncset.done $0x0  }
0x276: {  	[sflag:s5] =	ssyncadd.s32 $0xFFFFFC00  }
0x277: {  	_ =	swait.ge [sflag:s5], $0x400  }
0x278: {  	[sflag:s5] =	ssyncset.done $0x0  }
0x279: {  	[sflag:s5] =	ssyncadd.s32 $0xFFFFFC00  }
0x27a: {  	_ =	swait.ge [sflag:s5], $0x400  }
0x27b: {  	[sflag:s5] =	ssyncset.done $0x0  }
0x27c: {  	s7 =	sadd.s32 $0x1, s7;
	[sflag:s5] =	ssyncadd.s32 $0xFFFFFC00  }
0x27d: {  	p0 =	sne.s32 s7, s4;
	_ =	swait.ge [sflag:s5], $0x400  }
.Ltmp2:
0x27e: {  	[sflag:s5] =	ssyncset.done $0x0;
	(pc) =	sbr.rel @p0 .LBB2_1-.Ltmp2, $4  }
0x27f: {  	[sflag:s5] =	ssyncadd.s32 $0xFFFFFC00  }
0x280: {  	_ =	swait.ge [sflag:s5], $0x400  }
0x281: {  	[sflag:s5] =	ssyncset.done $0x0  }
0x282: {  	[sflag:s5] =	ssyncadd.s32 $0xFFFFFC00  }
0x283: {  	_ =	sfence.sel $0x180000  }
0x284: {  	[bflag:$0x0] =	sbarrier.arrive $0xFFFF  }
0x285: {  	_ =	strace $0x90000047  }
0x286: {  	s0 =	stileid.u32;
	[bflag:$0x2] =	sbarrier.arrive $0xFFFF  }
0x287: {  	p0 =	sne.s32 s0, $0x0;
	s0 =	rddreg [dreg:$0x2]  }
0x288: {  	s0 =	sadd.s32 @!p0 $0x100000, s0  }
0x289: {  	[sflag:s0] =	ssyncadd.tile.s32 @!p0 $0x1;
	_ =	shalt  }
.Lfunc_end2:
_tile_overlayer_lowered:
.L_overlay_start_2:
0x28a: {  	(tag) =	ssettag $0x2  }
0x28b: {  	s0 =	rddreg [dreg:$0x0];
	s2 =	stileid.u32  }
0x28c: {  	s1 =	rddreg [dreg:$0x1];
	p0 =	sne.s32 s2, $0x0  }
0x28d: {  	s3 =	rddreg [dreg:$0x2];
	[bflag:$0x3] =	sbarrier.arrive $0xFFFF;
	s2 =	simm.s32 @!p0 $0x1C02  }
0x28e: {  	[timem:s3], [sflag:s2] =	dma.local @!p0 [hbm:s0], s1  }
0x28f: {  	s0 =	simm.s32 @!p0 $0x2  }
0x290: {  	_ =	swait.ge @!p0 [sflag:s0], s1  }
0x291: {  	s1 =	ssub.s32 @!p0 $0x0, s1;
	[sflag:s0] =	ssyncset.done @!p0 $0x0  }
0x292: {  	[sflag:s0] =	ssyncadd.s32 @!p0 s1  }
0x293: {  	[bflag:$0x3] =	sbarrier.arrive $0xFFFF  }
0x294: {  	_ =	shalt  }

</sc_bundles>
